<compile_context>
chip_gen: v7x
topology: tpu7x:2x2x1
jax: 0.10.2.dev20260603
libtpu: 0.0.44.dev20260713+nightly
codegen_flags: <defaults>
</compile_context>

<pallas_src>
import functools
import jax
import jax.numpy as jnp
from jax import lax
from jax.experimental import pallas as pl
from jax.experimental.pallas import tpu as pltpu
from jax.experimental.pallas import tpu_sc as plsc

B = 16
CL1_F = 32
CL2_F = 64
CL3_F = 128
IN_V = 4096
V_SEL = 4000
GRID = 64
V2 = 1024
V3 = 256
K = 4
FC1_IN = CL3_F * V3
FC1_F = 512
FC2_F = 10
VPAD = 4104



def _conv_body(x_ref, wm_ref, b_ref, out_ref):
    wm = wm_ref[...]
    bias = b_ref[...]
    jmod = lax.broadcasted_iota(jnp.int32, (1, 64 * 64), 1) % 64
    shifted = {}
    for u in range(-2, 4):
        ap, si = u % 2, u // 2
        for v in range(-2, 4):
            bp, sj = v % 2, v // 2
            f = x_ref[0, 2 * ap + bp].reshape(3, 64 * 64)
            e = si * 64 + sj
            if e > 0:
                f = jnp.concatenate(
                    [f[:, e:], jnp.zeros((3, e), jnp.float32)], axis=1)
            elif e < 0:
                f = jnp.concatenate(
                    [jnp.zeros((3, -e), jnp.float32), f[:, :64 * 64 + e]], axis=1)
            if sj > 0:
                f = jnp.where(jmod < 64 - sj, f, 0.0)
            elif sj < 0:
                f = jnp.where(jmod >= -sj, f, 0.0)
            shifted[(u, v)] = f
    g = None
    for a in range(2):
        for b in range(2):
            taps = []
            for dy in range(5):
                for dx in range(5):
                    taps.append(shifted[(a + dy - 2, b + dx - 2)])
            p = jnp.concatenate(taps, axis=0)
            gab = lax.dot_general(p, wm, (((0,), (1,)), ((), ())),
                                  preferred_element_type=jnp.float32)
            g = gab if g is None else jnp.maximum(g, gab)
    out_ref[0] = jnp.maximum(g + bias, 0.0)


def _conv_pool(x, wm, b):
    return pl.pallas_call(
        _conv_body,
        grid=(B,),
        in_specs=[
            pl.BlockSpec((1, 4, 3, 64, 64), lambda i: (i, 0, 0, 0, 0)),
            pl.BlockSpec((CL1_F, 75), lambda i: (0, 0)),
            pl.BlockSpec((1, CL1_F), lambda i: (0, 0)),
        ],
        out_specs=pl.BlockSpec((1, IN_V, CL1_F), lambda i: (i, 0, 0)),
        out_shape=jax.ShapeDtypeStruct((B, IN_V, CL1_F), jnp.float32),
    )(x, wm, b)



def _sc_gather(table, idx):
    info = plsc.get_sparse_core_info()
    nw = info.num_cores * info.num_subcores
    b_per_w = IN_V // nw
    mesh = plsc.VectorSubcoreMesh(core_axis_name="c", subcore_axis_name="s")

    @functools.partial(
        pl.kernel, mesh=mesh,
        out_type=jax.ShapeDtypeStruct((IN_V, B * CL1_F), jnp.float32),
        scratch_types=[
            pltpu.VMEM((b_per_w,), jnp.int32),
            pltpu.VMEM((b_per_w, B * CL1_F), jnp.float32),
            pltpu.SemaphoreType.DMA,
        ],
    )
    def k(table_hbm, idx_hbm, out_hbm, idx_v, rows_v, sem):
        wid = lax.axis_index("s") * info.num_cores + lax.axis_index("c")
        base = wid * b_per_w
        pltpu.sync_copy(idx_hbm.at[pl.ds(base, b_per_w)], idx_v)
        pltpu.async_copy(table_hbm.at[idx_v], rows_v, sem).wait()
        pltpu.sync_copy(rows_v, out_hbm.at[pl.ds(base, b_per_w)])

    return k(table, idx)



def _bn_body(x_ref, s_ref, out_ref):
    x = x_ref[...]
    s = s_ref[...]
    n = float(IN_V * B)
    csum = jnp.sum(x, axis=0, keepdims=True)
    csum2 = jnp.sum(x * x, axis=0, keepdims=True)
    chs = lax.dot_general(csum, s, (((1,), (0,)), ((), ())),
                          preferred_element_type=jnp.float32)
    chs2 = lax.dot_general(csum2, s, (((1,), (0,)), ((), ())),
                           preferred_element_type=jnp.float32)
    mean = chs / n
    var = chs2 / n - mean * mean
    inv = lax.rsqrt(var + 1e-5)
    mean_c = lax.dot_general(mean, s, (((1,), (1,)), ((), ())),
                             preferred_element_type=jnp.float32)
    inv_c = lax.dot_general(inv, s, (((1,), (1,)), ((), ())),
                            preferred_element_type=jnp.float32)
    out_ref[...] = (x - mean_c) * inv_c


def _bn(x, s):
    return pl.pallas_call(
        _bn_body,
        out_shape=jax.ShapeDtypeStruct(x.shape, jnp.float32),
    )(x, s)



def _cheb_body(alpha, beta, l_ref, xin_ref, xprev_ref, out_ref):
    acc = jnp.dot(l_ref[...], xin_ref[...], preferred_element_type=jnp.float32)
    out_ref[...] = alpha * acc + beta * xprev_ref[...]


def _cheb(l_mat, xin, xprev, alpha, beta, tile):
    v, c = l_mat.shape[0], xin.shape[1]
    return pl.pallas_call(
        functools.partial(_cheb_body, alpha, beta),
        grid=(v // tile,),
        in_specs=[
            pl.BlockSpec((tile, v), lambda i: (i, 0)),
            pl.BlockSpec((v, c), lambda i: (0, 0)),
            pl.BlockSpec((tile, c), lambda i: (i, 0)),
        ],
        out_specs=pl.BlockSpec((tile, c), lambda i: (i, 0)),
        out_shape=jax.ShapeDtypeStruct((v, c), jnp.float32),
    )(l_mat, xin, xprev)



def _comb_body(nb, cin, cout, x0_ref, x1_ref, x2_ref, x3_ref, w_ref, b_ref, out_ref):
    w = w_ref[...]
    bias = b_ref[...]
    v = x0_ref.shape[0]
    outs = []
    for j in range(nb):
        sl = slice(j * cin, (j + 1) * cin)
        y = lax.dot_general(x0_ref[:, sl], w[0], (((1,), (0,)), ((), ())),
                            preferred_element_type=jnp.float32)
        y += lax.dot_general(x1_ref[:, sl], w[1], (((1,), (0,)), ((), ())),
                             preferred_element_type=jnp.float32)
        y += lax.dot_general(x2_ref[:, sl], w[2], (((1,), (0,)), ((), ())),
                             preferred_element_type=jnp.float32)
        y += lax.dot_general(x3_ref[:, sl], w[3], (((1,), (0,)), ((), ())),
                             preferred_element_type=jnp.float32)
        y = jnp.maximum(y + bias, 0.0)
        y = y.reshape(v // 4, 4, cout).max(axis=1)
        outs.append(y)
    out_ref[...] = jnp.concatenate(outs, axis=1)


def _combine(x0, x1, x2, x3, w, b, nb, cin, cout):
    v = x0.shape[0]
    grid = B // nb
    blk_in = nb * cin
    blk_out = nb * cout
    return pl.pallas_call(
        functools.partial(_comb_body, nb, cin, cout),
        grid=(grid,),
        in_specs=[
            pl.BlockSpec((v, blk_in), lambda i: (0, i)),
            pl.BlockSpec((v, blk_in), lambda i: (0, i)),
            pl.BlockSpec((v, blk_in), lambda i: (0, i)),
            pl.BlockSpec((v, blk_in), lambda i: (0, i)),
            pl.BlockSpec((K, cin, cout), lambda i: (0, 0, 0)),
            pl.BlockSpec((1, cout), lambda i: (0, 0)),
        ],
        out_specs=pl.BlockSpec((v // 4, blk_out), lambda i: (0, i)),
        out_shape=jax.ShapeDtypeStruct((v // 4, B * cout), jnp.float32),
    )(x0, x1, x2, x3, w, b)



def _comb2_body(x0_ref, x1_ref, x2_ref, x3_ref, w_ref, b_ref, out_ref):
    w = w_ref[...]
    bias = b_ref[...]
    for j in range(2):
        sl = slice(j * CL2_F, (j + 1) * CL2_F)
        y = lax.dot_general(x0_ref[:, sl], w[0], (((1,), (0,)), ((), ())),
                            preferred_element_type=jnp.float32)
        y += lax.dot_general(x1_ref[:, sl], w[1], (((1,), (0,)), ((), ())),
                             preferred_element_type=jnp.float32)
        y += lax.dot_general(x2_ref[:, sl], w[2], (((1,), (0,)), ((), ())),
                             preferred_element_type=jnp.float32)
        y += lax.dot_general(x3_ref[:, sl], w[3], (((1,), (0,)), ((), ())),
                             preferred_element_type=jnp.float32)
        y = jnp.maximum(y + bias, 0.0)
        y = y.reshape(V3, 4, CL3_F).max(axis=1)
        out_ref[j] = y.T


def _combine2(x0, x1, x2, x3, w, b):
    return pl.pallas_call(
        _comb2_body,
        grid=(8,),
        in_specs=[
            pl.BlockSpec((V2, 2 * CL2_F), lambda i: (0, i)),
            pl.BlockSpec((V2, 2 * CL2_F), lambda i: (0, i)),
            pl.BlockSpec((V2, 2 * CL2_F), lambda i: (0, i)),
            pl.BlockSpec((V2, 2 * CL2_F), lambda i: (0, i)),
            pl.BlockSpec((K, CL2_F, CL3_F), lambda i: (0, 0, 0)),
            pl.BlockSpec((1, CL3_F), lambda i: (0, 0)),
        ],
        out_specs=pl.BlockSpec((2, CL3_F, V3), lambda i: (i, 0, 0)),
        out_shape=jax.ShapeDtypeStruct((B, CL3_F, V3), jnp.float32),
    )(x0, x1, x2, x3, w, b)



def _fc_body(h_ref, w1_ref, b1_ref, w2_ref, b2_ref, out_ref, acc_ref):
    i = pl.program_id(0)

    @pl.when(i == 0)
    def _():
        acc_ref[...] = jnp.zeros_like(acc_ref)

    acc_ref[...] += lax.dot_general(h_ref[...], w1_ref[...],
                                    (((1,), (1,)), ((), ())),
                                    preferred_element_type=jnp.float32)

    @pl.when(i == pl.num_programs(0) - 1)
    def _():
        a = jnp.maximum(acc_ref[...] + b1_ref[...], 0.0)
        out_ref[...] = lax.dot_general(a, w2_ref[...], (((1,), (1,)), ((), ())),
                                       preferred_element_type=jnp.float32) + b2_ref[...]


def _fc(h, w1, b1, w2, b2):
    kchunk = 4096
    grid = FC1_IN // kchunk
    return pl.pallas_call(
        _fc_body,
        grid=(grid,),
        in_specs=[
            pl.BlockSpec((B, kchunk), lambda i: (0, i)),
            pl.BlockSpec((FC1_F, kchunk), lambda i: (0, i)),
            pl.BlockSpec((1, FC1_F), lambda i: (0, 0)),
            pl.BlockSpec((FC2_F, FC1_F), lambda i: (0, 0)),
            pl.BlockSpec((1, FC2_F), lambda i: (0, 0)),
        ],
        out_specs=pl.BlockSpec((B, FC2_F), lambda i: (0, 0)),
        out_shape=jax.ShapeDtypeStruct((B, FC2_F), jnp.float32),
        scratch_shapes=[pltpu.VMEM((B, FC1_F), jnp.float32)],
    )(h, w1, b1, w2, b2)


def kernel(x, conv1_w, conv1_b, w2, b2, w3, b3, fc1_w, fc1_b, fc2_w, fc2_b,
           node_index, perm, L0, L2):
    wm = conv1_w.transpose(0, 2, 3, 1).reshape(CL1_F, 75)
    idxflat = (node_index[:, 0] * GRID + node_index[:, 1]).astype(jnp.int32)
    perm = perm.astype(jnp.int32)
    src = jnp.where(perm < V_SEL,
                    idxflat[jnp.clip(perm, 0, V_SEL - 1)],
                    jnp.int32(IN_V)).astype(jnp.int32)
    sel = (jnp.arange(B * CL1_F, dtype=jnp.int32) % CL1_F)[:, None] == \
        jnp.arange(CL1_F, dtype=jnp.int32)[None, :]
    sel = sel.astype(jnp.float32)
    w2s = w2.reshape(CL2_F, CL1_F, K).transpose(2, 1, 0)
    w3s = w3.reshape(CL3_F, CL2_F, K).transpose(2, 1, 0)

    xq = x.reshape(B, 3, 64, 2, 64, 2).transpose(0, 3, 5, 1, 2, 4)
    xq = xq.reshape(B, 4, 3, 64, 64)
    pooled = _conv_pool(xq, wm, conv1_b.reshape(1, CL1_F))
    table = pooled.transpose(1, 0, 2).reshape(IN_V, B * CL1_F)
    table = jnp.concatenate(
        [table, jnp.zeros((VPAD - IN_V, B * CL1_F), jnp.float32)], axis=0)
    x0 = _sc_gather(table, src)
    x0 = _bn(x0, sel)
    x1 = _cheb(L0, x0, x0, 1.0, 0.0, 512)
    x2 = _cheb(L0, x1, x0, 2.0, -1.0, 512)
    x3 = _cheb(L0, x2, x1, 2.0, -1.0, 512)
    g2 = _combine(x0, x1, x2, x3, w2s, b2.reshape(1, CL2_F),
                  4, CL1_F, CL2_F)
    y1 = _cheb(L2, g2, g2, 1.0, 0.0, 512)
    y2 = _cheb(L2, y1, g2, 2.0, -1.0, 512)
    y3 = _cheb(L2, y2, y1, 2.0, -1.0, 512)
    h3 = _combine2(g2, y1, y2, y3, w3s, b3.reshape(1, CL3_F))
    hf = h3.reshape(B, FC1_IN)
    return _fc(hf, fc1_w, fc1_b.reshape(1, FC1_F),
               fc2_w, fc2_b.reshape(1, FC2_F))

# --- scband reference (transcript-rebuilt; emitter-appended) ---
"""Pipeline reference for scband-net-gcn-mnist-85229331021943 (READ-ONLY COPY).

The authoritative reference and input builder live on the scoring server;
editing this copy changes nothing except your own understanding.
"""

import jax, jax.numpy as jnp
import numpy as np

B = 16
IN_C, IN_H, IN_W = 3, 128, 128
CL1_F, CL1_K = 32, 5
IN_V = 4096
CL2_F, CL2_K = 64, 4
CL3_F, CL3_K = 128, 4
FC1_F, FC2_F = 512, 10
V_SEL = 4000
GRID = IN_H // 2
V2 = IN_V // 4
FC1_IN = CL3_F * (IN_V // 16)


def setup_inputs(seed: int = 0):
    key = jax.random.key(seed)
    ks = jax.random.split(key, 12)
    x = jax.random.normal(ks[0], (B, IN_C, IN_H, IN_W), dtype=jnp.float32)
    node_index = jnp.stack([jax.random.randint(ks[1], (V_SEL,), 0, GRID), jax.random.randint(ks[2], (V_SEL,), 0, GRID)], axis=1)
    perm = jnp.argsort(jax.random.uniform(ks[3], (IN_V,)))
    L0 = jax.random.normal(ks[4], (IN_V, IN_V), dtype=jnp.float32) * (0.5 / np.sqrt(IN_V))
    L2 = jax.random.normal(ks[5], (V2, V2), dtype=jnp.float32) * (0.5 / np.sqrt(V2))
    s1 = float(np.sqrt(2.0 / (IN_C * CL1_K ** 2 + CL1_F)))
    conv1_w = jax.random.uniform(ks[6], (CL1_F, IN_C, CL1_K, CL1_K), minval=-s1, maxval=s1, dtype=jnp.float32)
    conv1_b = jnp.zeros((CL1_F,), jnp.float32)
    s2 = float(np.sqrt(2.0 / (CL1_F * CL2_K + CL2_F)))
    w2 = jax.random.uniform(ks[7], (CL2_F, CL1_F * CL2_K), minval=-s2, maxval=s2, dtype=jnp.float32)
    b2 = jnp.zeros((CL2_F,), jnp.float32)
    s3 = float(np.sqrt(2.0 / (CL2_F * CL3_K + CL3_F)))
    w3 = jax.random.uniform(ks[8], (CL3_F, CL2_F * CL3_K), minval=-s3, maxval=s3, dtype=jnp.float32)
    b3 = jnp.zeros((CL3_F,), jnp.float32)
    s4 = float(np.sqrt(2.0 / (FC1_IN + FC1_F)))
    fc1_w = jax.random.uniform(ks[9], (FC1_F, FC1_IN), minval=-s4, maxval=s4, dtype=jnp.float32)
    fc1_b = jnp.zeros((FC1_F,), jnp.float32)
    s5 = float(np.sqrt(2.0 / (FC1_F + FC2_F)))
    fc2_w = jax.random.uniform(ks[10], (FC2_F, FC1_F), minval=-s5, maxval=s5, dtype=jnp.float32)
    fc2_b = jnp.zeros((FC2_F,), jnp.float32)
    return {"x": x, "conv1_w": conv1_w, "conv1_b": conv1_b, "w2": w2, "b2": b2, "w3": w3, "b3": b3, "fc1_w": fc1_w, "fc1_b": fc1_b, "fc2_w": fc2_w, "fc2_b": fc2_b, "node_index": node_index, "perm": perm, "L0": L0, "L2": L2}


def _graph_conv(x, L, W, b, K, out_ch):
    Bx, C, V = x.shape
    x0 = jnp.transpose(x, (2, 1, 0)).reshape(V, C * Bx)
    xs = [x0]
    if K > 1:
        xs.append(L @ x0)
    for k in range(2, K):
        xs.append(2.0 * (L @ xs[-1]) - xs[-2])
    xk = jnp.stack(xs, axis=0).reshape(K, V, C, Bx)
    xk = jnp.transpose(xk, (3, 1, 2, 0)).reshape(Bx * V, C * K)
    y = xk @ W.T + b
    return jnp.transpose(y.reshape(Bx, V, out_ch), (0, 2, 1))


def _gpool(x, k):
    Bx, C, V = x.shape
    return x.reshape(Bx, C, V // k, k).max(axis=3)


def reference(x, conv1_w, conv1_b, w2, b2, w3, b3, fc1_w, fc1_b, fc2_w, fc2_b, node_index, perm, L0, L2):
    h = jax.lax.conv_general_dilated(x, conv1_w, (1, 1), [(2, 2), (2, 2)], dimension_numbers=("NCHW", "OIHW", "NCHW"))
    h = h + conv1_b.reshape(1, -1, 1, 1)
    h = jax.nn.relu(h)
    h = h.reshape(B, CL1_F, GRID, 2, GRID, 2).max(axis=(3, 5))
    h = h[:, :, node_index[:, 0], node_index[:, 1]]
    pad = jnp.zeros((B, CL1_F, IN_V - V_SEL), dtype=h.dtype)
    h = jnp.concatenate([h, pad], axis=2)
    h = jnp.take(h, perm, axis=2)
    mean = h.mean(axis=(0, 2), keepdims=True)
    var = h.var(axis=(0, 2), keepdims=True)
    h = (h - mean) / jnp.sqrt(var + 1e-05)
    h = jax.nn.relu(_graph_conv(h, L0, w2, b2, CL2_K, CL2_F))
    h = _gpool(h, 4)
    h = jax.nn.relu(_graph_conv(h, L2, w3, b3, CL3_K, CL3_F))
    h = _gpool(h, 4)
    h = h.reshape(B, FC1_IN)
    h = jax.nn.relu(h @ fc1_w.T + fc1_b)
    return h @ fc2_w.T + fc2_b

if __name__ == "__main__":
    import jax
    _d = setup_inputs()
    print(jax.jit(kernel)(*tuple(_d.values())))

</pallas_src>

<mosaic_0001>
#map = affine_map<(d0, d1) -> (0, 0)>
#map1 = affine_map<(d0, d1) -> (0)>
module attributes {stable_mosaic.version = 14 : i64} {
  func.func @k(%arg0: i32, %arg1: i32, %arg2: memref<4104x512xf32, #tpu.memory_space<hbm>>, %arg3: memref<4096xi32, #tpu.memory_space<hbm>>, %arg4: memref<4096x512xf32, #tpu.memory_space<hbm>>, %arg5: memref<128xi32, #tpu.memory_space<vmem>>, %arg6: memref<128x512xf32, #tpu.memory_space<vmem>>, %arg7: memref<!tpu.dma_semaphore, #tpu.memory_space<semaphore_mem>>) attributes {dimension_semantics = [#tpu.dimension_semantics<core_parallel>, #tpu.dimension_semantics<subcore_parallel>], iteration_bounds = array<i64: 2, 16>, scalar_prefetch = 0 : i64, scratch_operands = 3 : i64, tpu.core_type = #tpu.core_type<sc_vector_subcore>, window_params = [{transform_indices = #map}, {transform_indices = #map1}, {transform_indices = #map}]} {
    %mul3A = arith.constant 2 : i32
    %mul3A_0 = arith.muli %arg1, %mul3A : i32
    %add3A = arith.addi %mul3A_0, %arg0 : i32
    %mul3A_1 = arith.constant 128 : i32
    %mul3A_2 = arith.muli %add3A, %mul3A_1 : i32
    "tpu.region"() ({
      %run_scoped3A = tpu.sem_alloc : memref<!tpu.dma_semaphore, #tpu.memory_space<semaphore_mem>>
      %dma_start3A_7 = tpu.memref_slice %arg3[%mul3A_2] : memref<4096xi32, #tpu.memory_space<hbm>> -> memref<128xi32, #tpu.memory_space<hbm>>
      %dma_start3A_8 = tpu.memref_slice %arg3[%mul3A_2] : memref<4096xi32, #tpu.memory_space<hbm>> -> memref<128xi32, #tpu.memory_space<hbm>>
      tpu.enqueue_dma source(%dma_start3A_8 : memref<128xi32, #tpu.memory_space<hbm>>) target(%arg5 : memref<128xi32, #tpu.memory_space<vmem>>) target_semaphore(%run_scoped3A : memref<!tpu.dma_semaphore, #tpu.memory_space<semaphore_mem>>)
      %dma_wait3A_9 = tpu.memref_slice %arg3[%mul3A_2] : memref<4096xi32, #tpu.memory_space<hbm>> -> memref<128xi32, #tpu.memory_space<hbm>>
      %dma_wait3A_10 = tpu.memref_slice %arg3[%mul3A_2] : memref<4096xi32, #tpu.memory_space<hbm>> -> memref<128xi32, #tpu.memory_space<hbm>>
      tpu.wait_dma2 semaphore(%run_scoped3A : memref<!tpu.dma_semaphore, #tpu.memory_space<semaphore_mem>>) src(%dma_wait3A_10 : memref<128xi32, #tpu.memory_space<hbm>>) dst(%arg5 : memref<128xi32, #tpu.memory_space<vmem>>)
      tpu.yield
    }) : () -> ()
    %dma_start3A = arith.constant 0 : i32
    %dma_start3A_3 = arith.constant 0 : i32
    %dma_start3A_4 = tpu.memref_slice %arg2[%dma_start3A, %dma_start3A_3] : memref<4104x512xf32, #tpu.memory_space<hbm>> -> memref<4104x512xf32, #tpu.memory_space<hbm>>
    tpu.enqueue_indirect_dma source(%dma_start3A_4 : memref<4104x512xf32, #tpu.memory_space<hbm>>) target(%arg6 : memref<128x512xf32, #tpu.memory_space<vmem>>) offsets(%arg5 : memref<128xi32, #tpu.memory_space<vmem>>) semaphore(%arg7 : memref<!tpu.dma_semaphore, #tpu.memory_space<semaphore_mem>>)
    %dma_wait3A = arith.constant 0 : i32
    %dma_wait3A_5 = arith.constant 0 : i32
    %dma_wait3A_6 = tpu.memref_slice %arg2[%dma_wait3A, %dma_wait3A_5] : memref<4104x512xf32, #tpu.memory_space<hbm>> -> memref<4104x512xf32, #tpu.memory_space<hbm>>
    tpu.wait_indirect_dma semaphore(%arg7 : memref<!tpu.dma_semaphore, #tpu.memory_space<semaphore_mem>>) src(%dma_wait3A_6 : memref<4104x512xf32, #tpu.memory_space<hbm>>) dst(%arg6 : memref<128x512xf32, #tpu.memory_space<vmem>>)
    "tpu.region"() ({
      %run_scoped3A = tpu.sem_alloc : memref<!tpu.dma_semaphore, #tpu.memory_space<semaphore_mem>>
      %dma_start3A_7 = arith.constant 0 : i32
      %dma_start3A_8 = tpu.memref_slice %arg4[%mul3A_2, %dma_start3A_7] : memref<4096x512xf32, #tpu.memory_space<hbm>> -> memref<128x512xf32, #tpu.memory_space<hbm>>
      %dma_start3A_9 = arith.constant 0 : i32
      %dma_start3A_10 = tpu.memref_slice %arg4[%mul3A_2, %dma_start3A_9] : memref<4096x512xf32, #tpu.memory_space<hbm>> -> memref<128x512xf32, #tpu.memory_space<hbm>>
      tpu.enqueue_dma source(%arg6 : memref<128x512xf32, #tpu.memory_space<vmem>>) target(%dma_start3A_10 : memref<128x512xf32, #tpu.memory_space<hbm>>) target_semaphore(%run_scoped3A : memref<!tpu.dma_semaphore, #tpu.memory_space<semaphore_mem>>)
      %dma_wait3A_11 = arith.constant 0 : i32
      %dma_wait3A_12 = tpu.memref_slice %arg4[%mul3A_2, %dma_wait3A_11] : memref<4096x512xf32, #tpu.memory_space<hbm>> -> memref<128x512xf32, #tpu.memory_space<hbm>>
      %dma_wait3A_13 = arith.constant 0 : i32
      %dma_wait3A_14 = tpu.memref_slice %arg4[%mul3A_2, %dma_wait3A_13] : memref<4096x512xf32, #tpu.memory_space<hbm>> -> memref<128x512xf32, #tpu.memory_space<hbm>>
      tpu.wait_dma2 semaphore(%run_scoped3A : memref<!tpu.dma_semaphore, #tpu.memory_space<semaphore_mem>>) src(%arg6 : memref<128x512xf32, #tpu.memory_space<vmem>>) dst(%dma_wait3A_14 : memref<128x512xf32, #tpu.memory_space<hbm>>)
      tpu.yield
    }) : () -> ()
    return
  }
}

module attributes {stable_mosaic.version = 14 : i64} {
  func.func @_conv_body(%arg0: i32, %arg1: memref<1x4x3x64x64xf32, #tpu.memory_space<vmem>>, %arg2: memref<32x75xf32, #tpu.memory_space<vmem>>, %arg3: memref<1x32xf32, #tpu.memory_space<vmem>>, %arg4: memref<1x4096x32xf32, #tpu.memory_space<vmem>>) attributes {dimension_semantics = [#tpu.dimension_semantics<arbitrary>], iteration_bounds = array<i64: 16>, scalar_prefetch = 0 : i64, scratch_operands = 0 : i64, tpu.core_type = #tpu.core_type<tc>, window_params = [{transform_indices = @transform_0, window_bounds = array<i64: 1, 4, 3, 64, 64>}, {pipeline_mode = #tpu.pipeline_mode<synchronous>, transform_indices = @transform_1, window_bounds = array<i64: 32, 75>}, {pipeline_mode = #tpu.pipeline_mode<synchronous>, transform_indices = @transform_2, window_bounds = array<i64: 1, 32>}, {transform_indices = @transform_3, window_bounds = array<i64: 1, 4096, 32>}]} {
    %get3A = arith.constant 0 : index
    %get3A_0 = arith.constant 0 : index
    %get3A_1 = vector.load %arg2[%get3A, %get3A_0] : memref<32x75xf32, #tpu.memory_space<vmem>>, vector<32x75xf32>
    %get3A_2 = arith.constant 0 : index
    %get3A_3 = arith.constant 0 : index
    %get3A_4 = vector.load %arg3[%get3A_2, %get3A_3] : memref<1x32xf32, #tpu.memory_space<vmem>>, vector<1x32xf32>
    %iota3A = tpu.iota {dimensions = array<i32: 1>} : vector<1x4096xi32>
    %jit3A = arith.constant 64 : i32
    %eq3A = arith.constant 0 : i32
    %eq3A_5 = arith.cmpi eq, %jit3A, %eq3A : i32
    %jit3A_6 = arith.constant 1 : i32
    %select_n3A = arith.select %eq3A_5, %jit3A_6, %jit3A : i32
    %rem3A = vector.broadcast %select_n3A : i32 to vector<1x4096xi32>
    %rem3A_7 = arith.remsi %iota3A, %rem3A : vector<1x4096xi32>
    %ne3A = arith.constant 0 : i32
    %ne3A_8 = vector.broadcast %ne3A : i32 to vector<1x4096xi32>
    %ne3A_9 = arith.cmpi ne, %rem3A_7, %ne3A_8 : vector<1x4096xi32>
    %lt3A = arith.constant 0 : i32
    %lt3A_10 = vector.broadcast %lt3A : i32 to vector<1x4096xi32>
    %lt3A_11 = arith.cmpi slt, %rem3A_7, %lt3A_10 : vector<1x4096xi32>
    %lt3A_12 = arith.constant 0 : i32
    %lt3A_13 = arith.cmpi slt, %select_n3A, %lt3A_12 : i32
    %ne3A_14 = vector.broadcast %lt3A_13 : i1 to vector<1x4096xi1>
    %ne3A_15 = vector.broadcast %ne3A_14 : vector<1x4096xi1> to vector<1x4096xi1>
    %ne3A_16 = arith.xori %lt3A_11, %ne3A_15 : vector<1x4096xi1>
    %and3A = arith.andi %ne3A_16, %ne3A_9 : vector<1x4096xi1>
    %add3A = vector.broadcast %select_n3A : i32 to vector<1x4096xi32>
    %add3A_17 = arith.addi %rem3A_7, %add3A : vector<1x4096xi32>
    %select_n3A_18 = arith.select %and3A, %add3A_17, %rem3A_7 : vector<1x4096xi1>, vector<1x4096xi32>
    %get3A_19 = arith.constant 0 : index
    %get3A_20 = arith.constant 0 : index
    %get3A_21 = arith.constant 0 : index
    %get3A_22 = arith.constant 0 : index
    %get3A_23 = arith.constant 0 : index
    %get3A_24 = vector.load %arg1[%get3A_19, %get3A_20, %get3A_21, %get3A_22, %get3A_23] : memref<1x4x3x64x64xf32, #tpu.memory_space<vmem>>, vector<1x1x3x64x64xf32>
    %get3A_25 = vector.shape_cast %get3A_24 : vector<1x1x3x64x64xf32> to vector<3x64x64xf32>
    %reshape3A = vector.shape_cast %get3A_25 : vector<3x64x64xf32> to vector<3x4096xf32>
    %broadcast_in_dim3A = arith.constant 0.000000e+00 : f32
    %broadcast_in_dim3A_26 = vector.broadcast %broadcast_in_dim3A : f32 to vector<3x65xf32>
    %slice3A = vector.extract_strided_slice %reshape3A {offsets = [0, 0], sizes = [3, 4031], strides = [1, 1]} : vector<3x4096xf32> to vector<3x4031xf32>
    %concatenate3A = tpu.concatenate %broadcast_in_dim3A_26, %slice3A in 1 : vector<3x65xf32>, vector<3x4031xf32> -> vector<3x4096xf32>
    %ge3A = arith.constant 1 : i32
    %ge3A_27 = vector.broadcast %ge3A : i32 to vector<1x4096xi32>
    %ge3A_28 = arith.cmpi sge, %select_n3A_18, %ge3A_27 : vector<1x4096xi32>
    %jit3A_29 = arith.constant 0.000000e+00 : f32
    %broadcast_in_dim3A_30 = vector.shape_cast %ge3A_28 : vector<1x4096xi1> to vector<1x4096xi1>
    %broadcast_in_dim3A_31 = vector.broadcast %broadcast_in_dim3A_30 : vector<1x4096xi1> to vector<3x4096xi1>
    %broadcast_in_dim3A_32 = vector.broadcast %jit3A_29 : f32 to vector<3x4096xf32>
    %select_n3A_33 = arith.select %broadcast_in_dim3A_31, %concatenate3A, %broadcast_in_dim3A_32 : vector<3x4096xi1>, vector<3x4096xf32>
    %get3A_34 = arith.constant 0 : index
    %get3A_35 = arith.constant 1 : index
    %get3A_36 = arith.constant 0 : index
    %get3A_37 = arith.constant 0 : index
    %get3A_38 = arith.constant 0 : index
    %get3A_39 = vector.load %arg1[%get3A_34, %get3A_35, %get3A_36, %get3A_37, %get3A_38] : memref<1x4x3x64x64xf32, #tpu.memory_space<vmem>>, vector<1x1x3x64x64xf32>
    %get3A_40 = vector.shape_cast %get3A_39 : vector<1x1x3x64x64xf32> to vector<3x64x64xf32>
    %reshape3A_41 = vector.shape_cast %get3A_40 : vector<3x64x64xf32> to vector<3x4096xf32>
    %broadcast_in_dim3A_42 = arith.constant 0.000000e+00 : f32
    %broadcast_in_dim3A_43 = vector.broadcast %broadcast_in_dim3A_42 : f32 to vector<3x65xf32>
    %slice3A_44 = vector.extract_strided_slice %reshape3A_41 {offsets = [0, 0], sizes = [3, 4031], strides = [1, 1]} : vector<3x4096xf32> to vector<3x4031xf32>
    %concatenate3A_45 = tpu.concatenate %broadcast_in_dim3A_43, %slice3A_44 in 1 : vector<3x65xf32>, vector<3x4031xf32> -> vector<3x4096xf32>
    %ge3A_46 = arith.constant 1 : i32
    %ge3A_47 = vector.broadcast %ge3A_46 : i32 to vector<1x4096xi32>
    %ge3A_48 = arith.cmpi sge, %select_n3A_18, %ge3A_47 : vector<1x4096xi32>
    %jit3A_49 = arith.constant 0.000000e+00 : f32
    %broadcast_in_dim3A_50 = vector.shape_cast %ge3A_48 : vector<1x4096xi1> to vector<1x4096xi1>
    %broadcast_in_dim3A_51 = vector.broadcast %broadcast_in_dim3A_50 : vector<1x4096xi1> to vector<3x4096xi1>
    %broadcast_in_dim3A_52 = vector.broadcast %jit3A_49 : f32 to vector<3x4096xf32>
    %select_n3A_53 = arith.select %broadcast_in_dim3A_51, %concatenate3A_45, %broadcast_in_dim3A_52 : vector<3x4096xi1>, vector<3x4096xf32>
    %get3A_54 = arith.constant 0 : index
    %get3A_55 = arith.constant 0 : index
    %get3A_56 = arith.constant 0 : index
    %get3A_57 = arith.constant 0 : index
    %get3A_58 = arith.constant 0 : index
    %get3A_59 = vector.load %arg1[%get3A_54, %get3A_55, %get3A_56, %get3A_57, %get3A_58] : memref<1x4x3x64x64xf32, #tpu.memory_space<vmem>>, vector<1x1x3x64x64xf32>
    %get3A_60 = vector.shape_cast %get3A_59 : vector<1x1x3x64x64xf32> to vector<3x64x64xf32>
    %reshape3A_61 = vector.shape_cast %get3A_60 : vector<3x64x64xf32> to vector<3x4096xf32>
    %broadcast_in_dim3A_62 = arith.constant 0.000000e+00 : f32
    %broadcast_in_dim3A_63 = vector.broadcast %broadcast_in_dim3A_62 : f32 to vector<3x64xf32>
    %slice3A_64 = vector.extract_strided_slice %reshape3A_61 {offsets = [0, 0], sizes = [3, 4032], strides = [1, 1]} : vector<3x4096xf32> to vector<3x4032xf32>
    %concatenate3A_65 = tpu.concatenate %broadcast_in_dim3A_63, %slice3A_64 in 1 : vector<3x64xf32>, vector<3x4032xf32> -> vector<3x4096xf32>
    %get3A_66 = arith.constant 0 : index
    %get3A_67 = arith.constant 1 : index
    %get3A_68 = arith.constant 0 : index
    %get3A_69 = arith.constant 0 : index
    %get3A_70 = arith.constant 0 : index
    %get3A_71 = vector.load %arg1[%get3A_66, %get3A_67, %get3A_68, %get3A_69, %get3A_70] : memref<1x4x3x64x64xf32, #tpu.memory_space<vmem>>, vector<1x1x3x64x64xf32>
    %get3A_72 = vector.shape_cast %get3A_71 : vector<1x1x3x64x64xf32> to vector<3x64x64xf32>
    %reshape3A_73 = vector.shape_cast %get3A_72 : vector<3x64x64xf32> to vector<3x4096xf32>
    %broadcast_in_dim3A_74 = arith.constant 0.000000e+00 : f32
    %broadcast_in_dim3A_75 = vector.broadcast %broadcast_in_dim3A_74 : f32 to vector<3x64xf32>
    %slice3A_76 = vector.extract_strided_slice %reshape3A_73 {offsets = [0, 0], sizes = [3, 4032], strides = [1, 1]} : vector<3x4096xf32> to vector<3x4032xf32>
    %concatenate3A_77 = tpu.concatenate %broadcast_in_dim3A_75, %slice3A_76 in 1 : vector<3x64xf32>, vector<3x4032xf32> -> vector<3x4096xf32>
    %get3A_78 = arith.constant 0 : index
    %get3A_79 = arith.constant 0 : index
    %get3A_80 = arith.constant 0 : index
    %get3A_81 = arith.constant 0 : index
    %get3A_82 = arith.constant 0 : index
    %get3A_83 = vector.load %arg1[%get3A_78, %get3A_79, %get3A_80, %get3A_81, %get3A_82] : memref<1x4x3x64x64xf32, #tpu.memory_space<vmem>>, vector<1x1x3x64x64xf32>
    %get3A_84 = vector.shape_cast %get3A_83 : vector<1x1x3x64x64xf32> to vector<3x64x64xf32>
    %reshape3A_85 = vector.shape_cast %get3A_84 : vector<3x64x64xf32> to vector<3x4096xf32>
    %broadcast_in_dim3A_86 = arith.constant 0.000000e+00 : f32
    %broadcast_in_dim3A_87 = vector.broadcast %broadcast_in_dim3A_86 : f32 to vector<3x63xf32>
    %slice3A_88 = vector.extract_strided_slice %reshape3A_85 {offsets = [0, 0], sizes = [3, 4033], strides = [1, 1]} : vector<3x4096xf32> to vector<3x4033xf32>
    %concatenate3A_89 = tpu.concatenate %broadcast_in_dim3A_87, %slice3A_88 in 1 : vector<3x63xf32>, vector<3x4033xf32> -> vector<3x4096xf32>
    %lt3A_90 = arith.constant 63 : i32
    %lt3A_91 = vector.broadcast %lt3A_90 : i32 to vector<1x4096xi32>
    %lt3A_92 = arith.cmpi slt, %select_n3A_18, %lt3A_91 : vector<1x4096xi32>
    %jit3A_93 = arith.constant 0.000000e+00 : f32
    %broadcast_in_dim3A_94 = vector.shape_cast %lt3A_92 : vector<1x4096xi1> to vector<1x4096xi1>
    %broadcast_in_dim3A_95 = vector.broadcast %broadcast_in_dim3A_94 : vector<1x4096xi1> to vector<3x4096xi1>
    %broadcast_in_dim3A_96 = vector.broadcast %jit3A_93 : f32 to vector<3x4096xf32>
    %select_n3A_97 = arith.select %broadcast_in_dim3A_95, %concatenate3A_89, %broadcast_in_dim3A_96 : vector<3x4096xi1>, vector<3x4096xf32>
    %get3A_98 = arith.constant 0 : index
    %get3A_99 = arith.constant 1 : index
    %get3A_100 = arith.constant 0 : index
    %get3A_101 = arith.constant 0 : index
    %get3A_102 = arith.constant 0 : index
    %get3A_103 = vector.load %arg1[%get3A_98, %get3A_99, %get3A_100, %get3A_101, %get3A_102] : memref<1x4x3x64x64xf32, #tpu.memory_space<vmem>>, vector<1x1x3x64x64xf32>
    %get3A_104 = vector.shape_cast %get3A_103 : vector<1x1x3x64x64xf32> to vector<3x64x64xf32>
    %reshape3A_105 = vector.shape_cast %get3A_104 : vector<3x64x64xf32> to vector<3x4096xf32>
    %broadcast_in_dim3A_106 = arith.constant 0.000000e+00 : f32
    %broadcast_in_dim3A_107 = vector.broadcast %broadcast_in_dim3A_106 : f32 to vector<3x63xf32>
    %slice3A_108 = vector.extract_strided_slice %reshape3A_105 {offsets = [0, 0], sizes = [3, 4033], strides = [1, 1]} : vector<3x4096xf32> to vector<3x4033xf32>
    %concatenate3A_109 = tpu.concatenate %broadcast_in_dim3A_107, %slice3A_108 in 1 : vector<3x63xf32>, vector<3x4033xf32> -> vector<3x4096xf32>
    %lt3A_110 = arith.constant 63 : i32
    %lt3A_111 = vector.broadcast %lt3A_110 : i32 to vector<1x4096xi32>
    %lt3A_112 = arith.cmpi slt, %select_n3A_18, %lt3A_111 : vector<1x4096xi32>
    %jit3A_113 = arith.constant 0.000000e+00 : f32
    %broadcast_in_dim3A_114 = vector.shape_cast %lt3A_112 : vector<1x4096xi1> to vector<1x4096xi1>
    %broadcast_in_dim3A_115 = vector.broadcast %broadcast_in_dim3A_114 : vector<1x4096xi1> to vector<3x4096xi1>
    %broadcast_in_dim3A_116 = vector.broadcast %jit3A_113 : f32 to vector<3x4096xf32>
    %select_n3A_117 = arith.select %broadcast_in_dim3A_115, %concatenate3A_109, %broadcast_in_dim3A_116 : vector<3x4096xi1>, vector<3x4096xf32>
    %get3A_118 = arith.constant 0 : index
    %get3A_119 = arith.constant 2 : index
    %get3A_120 = arith.constant 0 : index
    %get3A_121 = arith.constant 0 : index
    %get3A_122 = arith.constant 0 : index
    %get3A_123 = vector.load %arg1[%get3A_118, %get3A_119, %get3A_120, %get3A_121, %get3A_122] : memref<1x4x3x64x64xf32, #tpu.memory_space<vmem>>, vector<1x1x3x64x64xf32>
    %get3A_124 = vector.shape_cast %get3A_123 : vector<1x1x3x64x64xf32> to vector<3x64x64xf32>
    %reshape3A_125 = vector.shape_cast %get3A_124 : vector<3x64x64xf32> to vector<3x4096xf32>
    %broadcast_in_dim3A_126 = arith.constant 0.000000e+00 : f32
    %broadcast_in_dim3A_127 = vector.broadcast %broadcast_in_dim3A_126 : f32 to vector<3x65xf32>
    %slice3A_128 = vector.extract_strided_slice %reshape3A_125 {offsets = [0, 0], sizes = [3, 4031], strides = [1, 1]} : vector<3x4096xf32> to vector<3x4031xf32>
    %concatenate3A_129 = tpu.concatenate %broadcast_in_dim3A_127, %slice3A_128 in 1 : vector<3x65xf32>, vector<3x4031xf32> -> vector<3x4096xf32>
    %ge3A_130 = arith.constant 1 : i32
    %ge3A_131 = vector.broadcast %ge3A_130 : i32 to vector<1x4096xi32>
    %ge3A_132 = arith.cmpi sge, %select_n3A_18, %ge3A_131 : vector<1x4096xi32>
    %jit3A_133 = arith.constant 0.000000e+00 : f32
    %broadcast_in_dim3A_134 = vector.shape_cast %ge3A_132 : vector<1x4096xi1> to vector<1x4096xi1>
    %broadcast_in_dim3A_135 = vector.broadcast %broadcast_in_dim3A_134 : vector<1x4096xi1> to vector<3x4096xi1>
    %broadcast_in_dim3A_136 = vector.broadcast %jit3A_133 : f32 to vector<3x4096xf32>
    %select_n3A_137 = arith.select %broadcast_in_dim3A_135, %concatenate3A_129, %broadcast_in_dim3A_136 : vector<3x4096xi1>, vector<3x4096xf32>
    %get3A_138 = arith.constant 0 : index
    %get3A_139 = arith.constant 3 : index
    %get3A_140 = arith.constant 0 : index
    %get3A_141 = arith.constant 0 : index
    %get3A_142 = arith.constant 0 : index
    %get3A_143 = vector.load %arg1[%get3A_138, %get3A_139, %get3A_140, %get3A_141, %get3A_142] : memref<1x4x3x64x64xf32, #tpu.memory_space<vmem>>, vector<1x1x3x64x64xf32>
    %get3A_144 = vector.shape_cast %get3A_143 : vector<1x1x3x64x64xf32> to vector<3x64x64xf32>
    %reshape3A_145 = vector.shape_cast %get3A_144 : vector<3x64x64xf32> to vector<3x4096xf32>
    %broadcast_in_dim3A_146 = arith.constant 0.000000e+00 : f32
    %broadcast_in_dim3A_147 = vector.broadcast %broadcast_in_dim3A_146 : f32 to vector<3x65xf32>
    %slice3A_148 = vector.extract_strided_slice %reshape3A_145 {offsets = [0, 0], sizes = [3, 4031], strides = [1, 1]} : vector<3x4096xf32> to vector<3x4031xf32>
    %concatenate3A_149 = tpu.concatenate %broadcast_in_dim3A_147, %slice3A_148 in 1 : vector<3x65xf32>, vector<3x4031xf32> -> vector<3x4096xf32>
    %ge3A_150 = arith.constant 1 : i32
    %ge3A_151 = vector.broadcast %ge3A_150 : i32 to vector<1x4096xi32>
    %ge3A_152 = arith.cmpi sge, %select_n3A_18, %ge3A_151 : vector<1x4096xi32>
    %jit3A_153 = arith.constant 0.000000e+00 : f32
    %broadcast_in_dim3A_154 = vector.shape_cast %ge3A_152 : vector<1x4096xi1> to vector<1x4096xi1>
    %broadcast_in_dim3A_155 = vector.broadcast %broadcast_in_dim3A_154 : vector<1x4096xi1> to vector<3x4096xi1>
    %broadcast_in_dim3A_156 = vector.broadcast %jit3A_153 : f32 to vector<3x4096xf32>
    %select_n3A_157 = arith.select %broadcast_in_dim3A_155, %concatenate3A_149, %broadcast_in_dim3A_156 : vector<3x4096xi1>, vector<3x4096xf32>
    %get3A_158 = arith.constant 0 : index
    %get3A_159 = arith.constant 2 : index
    %get3A_160 = arith.constant 0 : index
    %get3A_161 = arith.constant 0 : index
    %get3A_162 = arith.constant 0 : index
    %get3A_163 = vector.load %arg1[%get3A_158, %get3A_159, %get3A_160, %get3A_161, %get3A_162] : memref<1x4x3x64x64xf32, #tpu.memory_space<vmem>>, vector<1x1x3x64x64xf32>
    %get3A_164 = vector.shape_cast %get3A_163 : vector<1x1x3x64x64xf32> to vector<3x64x64xf32>
    %reshape3A_165 = vector.shape_cast %get3A_164 : vector<3x64x64xf32> to vector<3x4096xf32>
    %broadcast_in_dim3A_166 = arith.constant 0.000000e+00 : f32
    %broadcast_in_dim3A_167 = vector.broadcast %broadcast_in_dim3A_166 : f32 to vector<3x64xf32>
    %slice3A_168 = vector.extract_strided_slice %reshape3A_165 {offsets = [0, 0], sizes = [3, 4032], strides = [1, 1]} : vector<3x4096xf32> to vector<3x4032xf32>
    %concatenate3A_169 = tpu.concatenate %broadcast_in_dim3A_167, %slice3A_168 in 1 : vector<3x64xf32>, vector<3x4032xf32> -> vector<3x4096xf32>
    %get3A_170 = arith.constant 0 : index
    %get3A_171 = arith.constant 3 : index
    %get3A_172 = arith.constant 0 : index
    %get3A_173 = arith.constant 0 : index
    %get3A_174 = arith.constant 0 : index
    %get3A_175 = vector.load %arg1[%get3A_170, %get3A_171, %get3A_172, %get3A_173, %get3A_174] : memref<1x4x3x64x64xf32, #tpu.memory_space<vmem>>, vector<1x1x3x64x64xf32>
    %get3A_176 = vector.shape_cast %get3A_175 : vector<1x1x3x64x64xf32> to vector<3x64x64xf32>
    %reshape3A_177 = vector.shape_cast %get3A_176 : vector<3x64x64xf32> to vector<3x4096xf32>
    %broadcast_in_dim3A_178 = arith.constant 0.000000e+00 : f32
    %broadcast_in_dim3A_179 = vector.broadcast %broadcast_in_dim3A_178 : f32 to vector<3x64xf32>
    %slice3A_180 = vector.extract_strided_slice %reshape3A_177 {offsets = [0, 0], sizes = [3, 4032], strides = [1, 1]} : vector<3x4096xf32> to vector<3x4032xf32>
    %concatenate3A_181 = tpu.concatenate %broadcast_in_dim3A_179, %slice3A_180 in 1 : vector<3x64xf32>, vector<3x4032xf32> -> vector<3x4096xf32>
    %get3A_182 = arith.constant 0 : index
    %get3A_183 = arith.constant 2 : index
    %get3A_184 = arith.constant 0 : index
    %get3A_185 = arith.constant 0 : index
    %get3A_186 = arith.constant 0 : index
    %get3A_187 = vector.load %arg1[%get3A_182, %get3A_183, %get3A_184, %get3A_185, %get3A_186] : memref<1x4x3x64x64xf32, #tpu.memory_space<vmem>>, vector<1x1x3x64x64xf32>
    %get3A_188 = vector.shape_cast %get3A_187 : vector<1x1x3x64x64xf32> to vector<3x64x64xf32>
    %reshape3A_189 = vector.shape_cast %get3A_188 : vector<3x64x64xf32> to vector<3x4096xf32>
    %broadcast_in_dim3A_190 = arith.constant 0.000000e+00 : f32
    %broadcast_in_dim3A_191 = vector.broadcast %broadcast_in_dim3A_190 : f32 to vector<3x63xf32>
    %slice3A_192 = vector.extract_strided_slice %reshape3A_189 {offsets = [0, 0], sizes = [3, 4033], strides = [1, 1]} : vector<3x4096xf32> to vector<3x4033xf32>
    %concatenate3A_193 = tpu.concatenate %broadcast_in_dim3A_191, %slice3A_192 in 1 : vector<3x63xf32>, vector<3x4033xf32> -> vector<3x4096xf32>
    %lt3A_194 = arith.constant 63 : i32
    %lt3A_195 = vector.broadcast %lt3A_194 : i32 to vector<1x4096xi32>
    %lt3A_196 = arith.cmpi slt, %select_n3A_18, %lt3A_195 : vector<1x4096xi32>
    %jit3A_197 = arith.constant 0.000000e+00 : f32
    %broadcast_in_dim3A_198 = vector.shape_cast %lt3A_196 : vector<1x4096xi1> to vector<1x4096xi1>
    %broadcast_in_dim3A_199 = vector.broadcast %broadcast_in_dim3A_198 : vector<1x4096xi1> to vector<3x4096xi1>
    %broadcast_in_dim3A_200 = vector.broadcast %jit3A_197 : f32 to vector<3x4096xf32>
    %select_n3A_201 = arith.select %broadcast_in_dim3A_199, %concatenate3A_193, %broadcast_in_dim3A_200 : vector<3x4096xi1>, vector<3x4096xf32>
    %get3A_202 = arith.constant 0 : index
    %get3A_203 = arith.constant 3 : index
    %get3A_204 = arith.constant 0 : index
    %get3A_205 = arith.constant 0 : index
    %get3A_206 = arith.constant 0 : index
    %get3A_207 = vector.load %arg1[%get3A_202, %get3A_203, %get3A_204, %get3A_205, %get3A_206] : memref<1x4x3x64x64xf32, #tpu.memory_space<vmem>>, vector<1x1x3x64x64xf32>
    %get3A_208 = vector.shape_cast %get3A_207 : vector<1x1x3x64x64xf32> to vector<3x64x64xf32>
    %reshape3A_209 = vector.shape_cast %get3A_208 : vector<3x64x64xf32> to vector<3x4096xf32>
    %broadcast_in_dim3A_210 = arith.constant 0.000000e+00 : f32
    %broadcast_in_dim3A_211 = vector.broadcast %broadcast_in_dim3A_210 : f32 to vector<3x63xf32>
    %slice3A_212 = vector.extract_strided_slice %reshape3A_209 {offsets = [0, 0], sizes = [3, 4033], strides = [1, 1]} : vector<3x4096xf32> to vector<3x4033xf32>
    %concatenate3A_213 = tpu.concatenate %broadcast_in_dim3A_211, %slice3A_212 in 1 : vector<3x63xf32>, vector<3x4033xf32> -> vector<3x4096xf32>
    %lt3A_214 = arith.constant 63 : i32
    %lt3A_215 = vector.broadcast %lt3A_214 : i32 to vector<1x4096xi32>
    %lt3A_216 = arith.cmpi slt, %select_n3A_18, %lt3A_215 : vector<1x4096xi32>
    %jit3A_217 = arith.constant 0.000000e+00 : f32
    %broadcast_in_dim3A_218 = vector.shape_cast %lt3A_216 : vector<1x4096xi1> to vector<1x4096xi1>
    %broadcast_in_dim3A_219 = vector.broadcast %broadcast_in_dim3A_218 : vector<1x4096xi1> to vector<3x4096xi1>
    %broadcast_in_dim3A_220 = vector.broadcast %jit3A_217 : f32 to vector<3x4096xf32>
    %select_n3A_221 = arith.select %broadcast_in_dim3A_219, %concatenate3A_213, %broadcast_in_dim3A_220 : vector<3x4096xi1>, vector<3x4096xf32>
    %get3A_222 = arith.constant 0 : index
    %get3A_223 = arith.constant 0 : index
    %get3A_224 = arith.constant 0 : index
    %get3A_225 = arith.constant 0 : index
    %get3A_226 = arith.constant 0 : index
    %get3A_227 = vector.load %arg1[%get3A_222, %get3A_223, %get3A_224, %get3A_225, %get3A_226] : memref<1x4x3x64x64xf32, #tpu.memory_space<vmem>>, vector<1x1x3x64x64xf32>
    %get3A_228 = vector.shape_cast %get3A_227 : vector<1x1x3x64x64xf32> to vector<3x64x64xf32>
    %reshape3A_229 = vector.shape_cast %get3A_228 : vector<3x64x64xf32> to vector<3x4096xf32>
    %broadcast_in_dim3A_230 = arith.constant 0.000000e+00 : f32
    %broadcast_in_dim3A_231 = vector.broadcast %broadcast_in_dim3A_230 : f32 to vector<3x1xf32>
    %slice3A_232 = vector.extract_strided_slice %reshape3A_229 {offsets = [0, 0], sizes = [3, 4095], strides = [1, 1]} : vector<3x4096xf32> to vector<3x4095xf32>
    %concatenate3A_233 = tpu.concatenate %broadcast_in_dim3A_231, %slice3A_232 in 1 : vector<3x1xf32>, vector<3x4095xf32> -> vector<3x4096xf32>
    %ge3A_234 = arith.constant 1 : i32
    %ge3A_235 = vector.broadcast %ge3A_234 : i32 to vector<1x4096xi32>
    %ge3A_236 = arith.cmpi sge, %select_n3A_18, %ge3A_235 : vector<1x4096xi32>
    %jit3A_237 = arith.constant 0.000000e+00 : f32
    %broadcast_in_dim3A_238 = vector.shape_cast %ge3A_236 : vector<1x4096xi1> to vector<1x4096xi1>
    %broadcast_in_dim3A_239 = vector.broadcast %broadcast_in_dim3A_238 : vector<1x4096xi1> to vector<3x4096xi1>
    %broadcast_in_dim3A_240 = vector.broadcast %jit3A_237 : f32 to vector<3x4096xf32>
    %select_n3A_241 = arith.select %broadcast_in_dim3A_239, %concatenate3A_233, %broadcast_in_dim3A_240 : vector<3x4096xi1>, vector<3x4096xf32>
    %get3A_242 = arith.constant 0 : index
    %get3A_243 = arith.constant 1 : index
    %get3A_244 = arith.constant 0 : index
    %get3A_245 = arith.constant 0 : index
    %get3A_246 = arith.constant 0 : index
    %get3A_247 = vector.load %arg1[%get3A_242, %get3A_243, %get3A_244, %get3A_245, %get3A_246] : memref<1x4x3x64x64xf32, #tpu.memory_space<vmem>>, vector<1x1x3x64x64xf32>
    %get3A_248 = vector.shape_cast %get3A_247 : vector<1x1x3x64x64xf32> to vector<3x64x64xf32>
    %reshape3A_249 = vector.shape_cast %get3A_248 : vector<3x64x64xf32> to vector<3x4096xf32>
    %broadcast_in_dim3A_250 = arith.constant 0.000000e+00 : f32
    %broadcast_in_dim3A_251 = vector.broadcast %broadcast_in_dim3A_250 : f32 to vector<3x1xf32>
    %slice3A_252 = vector.extract_strided_slice %reshape3A_249 {offsets = [0, 0], sizes = [3, 4095], strides = [1, 1]} : vector<3x4096xf32> to vector<3x4095xf32>
    %concatenate3A_253 = tpu.concatenate %broadcast_in_dim3A_251, %slice3A_252 in 1 : vector<3x1xf32>, vector<3x4095xf32> -> vector<3x4096xf32>
    %ge3A_254 = arith.constant 1 : i32
    %ge3A_255 = vector.broadcast %ge3A_254 : i32 to vector<1x4096xi32>
    %ge3A_256 = arith.cmpi sge, %select_n3A_18, %ge3A_255 : vector<1x4096xi32>
    %jit3A_257 = arith.constant 0.000000e+00 : f32
    %broadcast_in_dim3A_258 = vector.shape_cast %ge3A_256 : vector<1x4096xi1> to vector<1x4096xi1>
    %broadcast_in_dim3A_259 = vector.broadcast %broadcast_in_dim3A_258 : vector<1x4096xi1> to vector<3x4096xi1>
    %broadcast_in_dim3A_260 = vector.broadcast %jit3A_257 : f32 to vector<3x4096xf32>
    %select_n3A_261 = arith.select %broadcast_in_dim3A_259, %concatenate3A_253, %broadcast_in_dim3A_260 : vector<3x4096xi1>, vector<3x4096xf32>
    %get3A_262 = arith.constant 0 : index
    %get3A_263 = arith.constant 0 : index
    %get3A_264 = arith.constant 0 : index
    %get3A_265 = arith.constant 0 : index
    %get3A_266 = arith.constant 0 : index
    %get3A_267 = vector.load %arg1[%get3A_262, %get3A_263, %get3A_264, %get3A_265, %get3A_266] : memref<1x4x3x64x64xf32, #tpu.memory_space<vmem>>, vector<1x1x3x64x64xf32>
    %get3A_268 = vector.shape_cast %get3A_267 : vector<1x1x3x64x64xf32> to vector<3x64x64xf32>
    %reshape3A_269 = vector.shape_cast %get3A_268 : vector<3x64x64xf32> to vector<3x4096xf32>
    %get3A_270 = arith.constant 0 : index
    %get3A_271 = arith.constant 1 : index
    %get3A_272 = arith.constant 0 : index
    %get3A_273 = arith.constant 0 : index
    %get3A_274 = arith.constant 0 : index
    %get3A_275 = vector.load %arg1[%get3A_270, %get3A_271, %get3A_272, %get3A_273, %get3A_274] : memref<1x4x3x64x64xf32, #tpu.memory_space<vmem>>, vector<1x1x3x64x64xf32>
    %get3A_276 = vector.shape_cast %get3A_275 : vector<1x1x3x64x64xf32> to vector<3x64x64xf32>
    %reshape3A_277 = vector.shape_cast %get3A_276 : vector<3x64x64xf32> to vector<3x4096xf32>
    %get3A_278 = arith.constant 0 : index
    %get3A_279 = arith.constant 0 : index
    %get3A_280 = arith.constant 0 : index
    %get3A_281 = arith.constant 0 : index
    %get3A_282 = arith.constant 0 : index
    %get3A_283 = vector.load %arg1[%get3A_278, %get3A_279, %get3A_280, %get3A_281, %get3A_282] : memref<1x4x3x64x64xf32, #tpu.memory_space<vmem>>, vector<1x1x3x64x64xf32>
    %get3A_284 = vector.shape_cast %get3A_283 : vector<1x1x3x64x64xf32> to vector<3x64x64xf32>
    %reshape3A_285 = vector.shape_cast %get3A_284 : vector<3x64x64xf32> to vector<3x4096xf32>
    %slice3A_286 = vector.extract_strided_slice %reshape3A_285 {offsets = [0, 1], sizes = [3, 4095], strides = [1, 1]} : vector<3x4096xf32> to vector<3x4095xf32>
    %broadcast_in_dim3A_287 = arith.constant 0.000000e+00 : f32
    %broadcast_in_dim3A_288 = vector.broadcast %broadcast_in_dim3A_287 : f32 to vector<3x1xf32>
    %concatenate3A_289 = tpu.concatenate %slice3A_286, %broadcast_in_dim3A_288 in 1 : vector<3x4095xf32>, vector<3x1xf32> -> vector<3x4096xf32>
    %lt3A_290 = arith.constant 63 : i32
    %lt3A_291 = vector.broadcast %lt3A_290 : i32 to vector<1x4096xi32>
    %lt3A_292 = arith.cmpi slt, %select_n3A_18, %lt3A_291 : vector<1x4096xi32>
    %jit3A_293 = arith.constant 0.000000e+00 : f32
    %broadcast_in_dim3A_294 = vector.shape_cast %lt3A_292 : vector<1x4096xi1> to vector<1x4096xi1>
    %broadcast_in_dim3A_295 = vector.broadcast %broadcast_in_dim3A_294 : vector<1x4096xi1> to vector<3x4096xi1>
    %broadcast_in_dim3A_296 = vector.broadcast %jit3A_293 : f32 to vector<3x4096xf32>
    %select_n3A_297 = arith.select %broadcast_in_dim3A_295, %concatenate3A_289, %broadcast_in_dim3A_296 : vector<3x4096xi1>, vector<3x4096xf32>
    %get3A_298 = arith.constant 0 : index
    %get3A_299 = arith.constant 1 : index
    %get3A_300 = arith.constant 0 : index
    %get3A_301 = arith.constant 0 : index
    %get3A_302 = arith.constant 0 : index
    %get3A_303 = vector.load %arg1[%get3A_298, %get3A_299, %get3A_300, %get3A_301, %get3A_302] : memref<1x4x3x64x64xf32, #tpu.memory_space<vmem>>, vector<1x1x3x64x64xf32>
    %get3A_304 = vector.shape_cast %get3A_303 : vector<1x1x3x64x64xf32> to vector<3x64x64xf32>
    %reshape3A_305 = vector.shape_cast %get3A_304 : vector<3x64x64xf32> to vector<3x4096xf32>
    %slice3A_306 = vector.extract_strided_slice %reshape3A_305 {offsets = [0, 1], sizes = [3, 4095], strides = [1, 1]} : vector<3x4096xf32> to vector<3x4095xf32>
    %broadcast_in_dim3A_307 = arith.constant 0.000000e+00 : f32
    %broadcast_in_dim3A_308 = vector.broadcast %broadcast_in_dim3A_307 : f32 to vector<3x1xf32>
    %concatenate3A_309 = tpu.concatenate %slice3A_306, %broadcast_in_dim3A_308 in 1 : vector<3x4095xf32>, vector<3x1xf32> -> vector<3x4096xf32>
    %lt3A_310 = arith.constant 63 : i32
    %lt3A_311 = vector.broadcast %lt3A_310 : i32 to vector<1x4096xi32>
    %lt3A_312 = arith.cmpi slt, %select_n3A_18, %lt3A_311 : vector<1x4096xi32>
    %jit3A_313 = arith.constant 0.000000e+00 : f32
    %broadcast_in_dim3A_314 = vector.shape_cast %lt3A_312 : vector<1x4096xi1> to vector<1x4096xi1>
    %broadcast_in_dim3A_315 = vector.broadcast %broadcast_in_dim3A_314 : vector<1x4096xi1> to vector<3x4096xi1>
    %broadcast_in_dim3A_316 = vector.broadcast %jit3A_313 : f32 to vector<3x4096xf32>
    %select_n3A_317 = arith.select %broadcast_in_dim3A_315, %concatenate3A_309, %broadcast_in_dim3A_316 : vector<3x4096xi1>, vector<3x4096xf32>
    %get3A_318 = arith.constant 0 : index
    %get3A_319 = arith.constant 2 : index
    %get3A_320 = arith.constant 0 : index
    %get3A_321 = arith.constant 0 : index
    %get3A_322 = arith.constant 0 : index
    %get3A_323 = vector.load %arg1[%get3A_318, %get3A_319, %get3A_320, %get3A_321, %get3A_322] : memref<1x4x3x64x64xf32, #tpu.memory_space<vmem>>, vector<1x1x3x64x64xf32>
    %get3A_324 = vector.shape_cast %get3A_323 : vector<1x1x3x64x64xf32> to vector<3x64x64xf32>
    %reshape3A_325 = vector.shape_cast %get3A_324 : vector<3x64x64xf32> to vector<3x4096xf32>
    %broadcast_in_dim3A_326 = arith.constant 0.000000e+00 : f32
    %broadcast_in_dim3A_327 = vector.broadcast %broadcast_in_dim3A_326 : f32 to vector<3x1xf32>
    %slice3A_328 = vector.extract_strided_slice %reshape3A_325 {offsets = [0, 0], sizes = [3, 4095], strides = [1, 1]} : vector<3x4096xf32> to vector<3x4095xf32>
    %concatenate3A_329 = tpu.concatenate %broadcast_in_dim3A_327, %slice3A_328 in 1 : vector<3x1xf32>, vector<3x4095xf32> -> vector<3x4096xf32>
    %ge3A_330 = arith.constant 1 : i32
    %ge3A_331 = vector.broadcast %ge3A_330 : i32 to vector<1x4096xi32>
    %ge3A_332 = arith.cmpi sge, %select_n3A_18, %ge3A_331 : vector<1x4096xi32>
    %jit3A_333 = arith.constant 0.000000e+00 : f32
    %broadcast_in_dim3A_334 = vector.shape_cast %ge3A_332 : vector<1x4096xi1> to vector<1x4096xi1>
    %broadcast_in_dim3A_335 = vector.broadcast %broadcast_in_dim3A_334 : vector<1x4096xi1> to vector<3x4096xi1>
    %broadcast_in_dim3A_336 = vector.broadcast %jit3A_333 : f32 to vector<3x4096xf32>
    %select_n3A_337 = arith.select %broadcast_in_dim3A_335, %concatenate3A_329, %broadcast_in_dim3A_336 : vector<3x4096xi1>, vector<3x4096xf32>
    %get3A_338 = arith.constant 0 : index
    %get3A_339 = arith.constant 3 : index
    %get3A_340 = arith.constant 0 : index
    %get3A_341 = arith.constant 0 : index
    %get3A_342 = arith.constant 0 : index
    %get3A_343 = vector.load %arg1[%get3A_338, %get3A_339, %get3A_340, %get3A_341, %get3A_342] : memref<1x4x3x64x64xf32, #tpu.memory_space<vmem>>, vector<1x1x3x64x64xf32>
    %get3A_344 = vector.shape_cast %get3A_343 : vector<1x1x3x64x64xf32> to vector<3x64x64xf32>
    %reshape3A_345 = vector.shape_cast %get3A_344 : vector<3x64x64xf32> to vector<3x4096xf32>
    %broadcast_in_dim3A_346 = arith.constant 0.000000e+00 : f32
    %broadcast_in_dim3A_347 = vector.broadcast %broadcast_in_dim3A_346 : f32 to vector<3x1xf32>
    %slice3A_348 = vector.extract_strided_slice %reshape3A_345 {offsets = [0, 0], sizes = [3, 4095], strides = [1, 1]} : vector<3x4096xf32> to vector<3x4095xf32>
    %concatenate3A_349 = tpu.concatenate %broadcast_in_dim3A_347, %slice3A_348 in 1 : vector<3x1xf32>, vector<3x4095xf32> -> vector<3x4096xf32>
    %ge3A_350 = arith.constant 1 : i32
    %ge3A_351 = vector.broadcast %ge3A_350 : i32 to vector<1x4096xi32>
    %ge3A_352 = arith.cmpi sge, %select_n3A_18, %ge3A_351 : vector<1x4096xi32>
    %jit3A_353 = arith.constant 0.000000e+00 : f32
    %broadcast_in_dim3A_354 = vector.shape_cast %ge3A_352 : vector<1x4096xi1> to vector<1x4096xi1>
    %broadcast_in_dim3A_355 = vector.broadcast %broadcast_in_dim3A_354 : vector<1x4096xi1> to vector<3x4096xi1>
    %broadcast_in_dim3A_356 = vector.broadcast %jit3A_353 : f32 to vector<3x4096xf32>
    %select_n3A_357 = arith.select %broadcast_in_dim3A_355, %concatenate3A_349, %broadcast_in_dim3A_356 : vector<3x4096xi1>, vector<3x4096xf32>
    %get3A_358 = arith.constant 0 : index
    %get3A_359 = arith.constant 2 : index
    %get3A_360 = arith.constant 0 : index
    %get3A_361 = arith.constant 0 : index
    %get3A_362 = arith.constant 0 : index
    %get3A_363 = vector.load %arg1[%get3A_358, %get3A_359, %get3A_360, %get3A_361, %get3A_362] : memref<1x4x3x64x64xf32, #tpu.memory_space<vmem>>, vector<1x1x3x64x64xf32>
    %get3A_364 = vector.shape_cast %get3A_363 : vector<1x1x3x64x64xf32> to vector<3x64x64xf32>
    %reshape3A_365 = vector.shape_cast %get3A_364 : vector<3x64x64xf32> to vector<3x4096xf32>
    %get3A_366 = arith.constant 0 : index
    %get3A_367 = arith.constant 3 : index
    %get3A_368 = arith.constant 0 : index
    %get3A_369 = arith.constant 0 : index
    %get3A_370 = arith.constant 0 : index
    %get3A_371 = vector.load %arg1[%get3A_366, %get3A_367, %get3A_368, %get3A_369, %get3A_370] : memref<1x4x3x64x64xf32, #tpu.memory_space<vmem>>, vector<1x1x3x64x64xf32>
    %get3A_372 = vector.shape_cast %get3A_371 : vector<1x1x3x64x64xf32> to vector<3x64x64xf32>
    %reshape3A_373 = vector.shape_cast %get3A_372 : vector<3x64x64xf32> to vector<3x4096xf32>
    %get3A_374 = arith.constant 0 : index
    %get3A_375 = arith.constant 2 : index
    %get3A_376 = arith.constant 0 : index
    %get3A_377 = arith.constant 0 : index
    %get3A_378 = arith.constant 0 : index
    %get3A_379 = vector.load %arg1[%get3A_374, %get3A_375, %get3A_376, %get3A_377, %get3A_378] : memref<1x4x3x64x64xf32, #tpu.memory_space<vmem>>, vector<1x1x3x64x64xf32>
    %get3A_380 = vector.shape_cast %get3A_379 : vector<1x1x3x64x64xf32> to vector<3x64x64xf32>
    %reshape3A_381 = vector.shape_cast %get3A_380 : vector<3x64x64xf32> to vector<3x4096xf32>
    %slice3A_382 = vector.extract_strided_slice %reshape3A_381 {offsets = [0, 1], sizes = [3, 4095], strides = [1, 1]} : vector<3x4096xf32> to vector<3x4095xf32>
    %broadcast_in_dim3A_383 = arith.constant 0.000000e+00 : f32
    %broadcast_in_dim3A_384 = vector.broadcast %broadcast_in_dim3A_383 : f32 to vector<3x1xf32>
    %concatenate3A_385 = tpu.concatenate %slice3A_382, %broadcast_in_dim3A_384 in 1 : vector<3x4095xf32>, vector<3x1xf32> -> vector<3x4096xf32>
    %lt3A_386 = arith.constant 63 : i32
    %lt3A_387 = vector.broadcast %lt3A_386 : i32 to vector<1x4096xi32>
    %lt3A_388 = arith.cmpi slt, %select_n3A_18, %lt3A_387 : vector<1x4096xi32>
    %jit3A_389 = arith.constant 0.000000e+00 : f32
    %broadcast_in_dim3A_390 = vector.shape_cast %lt3A_388 : vector<1x4096xi1> to vector<1x4096xi1>
    %broadcast_in_dim3A_391 = vector.broadcast %broadcast_in_dim3A_390 : vector<1x4096xi1> to vector<3x4096xi1>
    %broadcast_in_dim3A_392 = vector.broadcast %jit3A_389 : f32 to vector<3x4096xf32>
    %select_n3A_393 = arith.select %broadcast_in_dim3A_391, %concatenate3A_385, %broadcast_in_dim3A_392 : vector<3x4096xi1>, vector<3x4096xf32>
    %get3A_394 = arith.constant 0 : index
    %get3A_395 = arith.constant 3 : index
    %get3A_396 = arith.constant 0 : index
    %get3A_397 = arith.constant 0 : index
    %get3A_398 = arith.constant 0 : index
    %get3A_399 = vector.load %arg1[%get3A_394, %get3A_395, %get3A_396, %get3A_397, %get3A_398] : memref<1x4x3x64x64xf32, #tpu.memory_space<vmem>>, vector<1x1x3x64x64xf32>
    %get3A_400 = vector.shape_cast %get3A_399 : vector<1x1x3x64x64xf32> to vector<3x64x64xf32>
    %reshape3A_401 = vector.shape_cast %get3A_400 : vector<3x64x64xf32> to vector<3x4096xf32>
    %slice3A_402 = vector.extract_strided_slice %reshape3A_401 {offsets = [0, 1], sizes = [3, 4095], strides = [1, 1]} : vector<3x4096xf32> to vector<3x4095xf32>
    %broadcast_in_dim3A_403 = arith.constant 0.000000e+00 : f32
    %broadcast_in_dim3A_404 = vector.broadcast %broadcast_in_dim3A_403 : f32 to vector<3x1xf32>
    %concatenate3A_405 = tpu.concatenate %slice3A_402, %broadcast_in_dim3A_404 in 1 : vector<3x4095xf32>, vector<3x1xf32> -> vector<3x4096xf32>
    %lt3A_406 = arith.constant 63 : i32
    %lt3A_407 = vector.broadcast %lt3A_406 : i32 to vector<1x4096xi32>
    %lt3A_408 = arith.cmpi slt, %select_n3A_18, %lt3A_407 : vector<1x4096xi32>
    %jit3A_409 = arith.constant 0.000000e+00 : f32
    %broadcast_in_dim3A_410 = vector.shape_cast %lt3A_408 : vector<1x4096xi1> to vector<1x4096xi1>
    %broadcast_in_dim3A_411 = vector.broadcast %broadcast_in_dim3A_410 : vector<1x4096xi1> to vector<3x4096xi1>
    %broadcast_in_dim3A_412 = vector.broadcast %jit3A_409 : f32 to vector<3x4096xf32>
    %select_n3A_413 = arith.select %broadcast_in_dim3A_411, %concatenate3A_405, %broadcast_in_dim3A_412 : vector<3x4096xi1>, vector<3x4096xf32>
    %get3A_414 = arith.constant 0 : index
    %get3A_415 = arith.constant 0 : index
    %get3A_416 = arith.constant 0 : index
    %get3A_417 = arith.constant 0 : index
    %get3A_418 = arith.constant 0 : index
    %get3A_419 = vector.load %arg1[%get3A_414, %get3A_415, %get3A_416, %get3A_417, %get3A_418] : memref<1x4x3x64x64xf32, #tpu.memory_space<vmem>>, vector<1x1x3x64x64xf32>
    %get3A_420 = vector.shape_cast %get3A_419 : vector<1x1x3x64x64xf32> to vector<3x64x64xf32>
    %reshape3A_421 = vector.shape_cast %get3A_420 : vector<3x64x64xf32> to vector<3x4096xf32>
    %slice3A_422 = vector.extract_strided_slice %reshape3A_421 {offsets = [0, 63], sizes = [3, 4033], strides = [1, 1]} : vector<3x4096xf32> to vector<3x4033xf32>
    %broadcast_in_dim3A_423 = arith.constant 0.000000e+00 : f32
    %broadcast_in_dim3A_424 = vector.broadcast %broadcast_in_dim3A_423 : f32 to vector<3x63xf32>
    %concatenate3A_425 = tpu.concatenate %slice3A_422, %broadcast_in_dim3A_424 in 1 : vector<3x4033xf32>, vector<3x63xf32> -> vector<3x4096xf32>
    %ge3A_426 = arith.constant 1 : i32
    %ge3A_427 = vector.broadcast %ge3A_426 : i32 to vector<1x4096xi32>
    %ge3A_428 = arith.cmpi sge, %select_n3A_18, %ge3A_427 : vector<1x4096xi32>
    %jit3A_429 = arith.constant 0.000000e+00 : f32
    %broadcast_in_dim3A_430 = vector.shape_cast %ge3A_428 : vector<1x4096xi1> to vector<1x4096xi1>
    %broadcast_in_dim3A_431 = vector.broadcast %broadcast_in_dim3A_430 : vector<1x4096xi1> to vector<3x4096xi1>
    %broadcast_in_dim3A_432 = vector.broadcast %jit3A_429 : f32 to vector<3x4096xf32>
    %select_n3A_433 = arith.select %broadcast_in_dim3A_431, %concatenate3A_425, %broadcast_in_dim3A_432 : vector<3x4096xi1>, vector<3x4096xf32>
    %get3A_434 = arith.constant 0 : index
    %get3A_435 = arith.constant 1 : index
    %get3A_436 = arith.constant 0 : index
    %get3A_437 = arith.constant 0 : index
    %get3A_438 = arith.constant 0 : index
    %get3A_439 = vector.load %arg1[%get3A_434, %get3A_435, %get3A_436, %get3A_437, %get3A_438] : memref<1x4x3x64x64xf32, #tpu.memory_space<vmem>>, vector<1x1x3x64x64xf32>
    %get3A_440 = vector.shape_cast %get3A_439 : vector<1x1x3x64x64xf32> to vector<3x64x64xf32>
    %reshape3A_441 = vector.shape_cast %get3A_440 : vector<3x64x64xf32> to vector<3x4096xf32>
    %slice3A_442 = vector.extract_strided_slice %reshape3A_441 {offsets = [0, 63], sizes = [3, 4033], strides = [1, 1]} : vector<3x4096xf32> to vector<3x4033xf32>
    %broadcast_in_dim3A_443 = arith.constant 0.000000e+00 : f32
    %broadcast_in_dim3A_444 = vector.broadcast %broadcast_in_dim3A_443 : f32 to vector<3x63xf32>
    %concatenate3A_445 = tpu.concatenate %slice3A_442, %broadcast_in_dim3A_444 in 1 : vector<3x4033xf32>, vector<3x63xf32> -> vector<3x4096xf32>
    %ge3A_446 = arith.constant 1 : i32
    %ge3A_447 = vector.broadcast %ge3A_446 : i32 to vector<1x4096xi32>
    %ge3A_448 = arith.cmpi sge, %select_n3A_18, %ge3A_447 : vector<1x4096xi32>
    %jit3A_449 = arith.constant 0.000000e+00 : f32
    %broadcast_in_dim3A_450 = vector.shape_cast %ge3A_448 : vector<1x4096xi1> to vector<1x4096xi1>
    %broadcast_in_dim3A_451 = vector.broadcast %broadcast_in_dim3A_450 : vector<1x4096xi1> to vector<3x4096xi1>
    %broadcast_in_dim3A_452 = vector.broadcast %jit3A_449 : f32 to vector<3x4096xf32>
    %select_n3A_453 = arith.select %broadcast_in_dim3A_451, %concatenate3A_445, %broadcast_in_dim3A_452 : vector<3x4096xi1>, vector<3x4096xf32>
    %get3A_454 = arith.constant 0 : index
    %get3A_455 = arith.constant 0 : index
    %get3A_456 = arith.constant 0 : index
    %get3A_457 = arith.constant 0 : index
    %get3A_458 = arith.constant 0 : index
    %get3A_459 = vector.load %arg1[%get3A_454, %get3A_455, %get3A_456, %get3A_457, %get3A_458] : memref<1x4x3x64x64xf32, #tpu.memory_space<vmem>>, vector<1x1x3x64x64xf32>
    %get3A_460 = vector.shape_cast %get3A_459 : vector<1x1x3x64x64xf32> to vector<3x64x64xf32>
    %reshape3A_461 = vector.shape_cast %get3A_460 : vector<3x64x64xf32> to vector<3x4096xf32>
    %slice3A_462 = vector.extract_strided_slice %reshape3A_461 {offsets = [0, 64], sizes = [3, 4032], strides = [1, 1]} : vector<3x4096xf32> to vector<3x4032xf32>
    %broadcast_in_dim3A_463 = arith.constant 0.000000e+00 : f32
    %broadcast_in_dim3A_464 = vector.broadcast %broadcast_in_dim3A_463 : f32 to vector<3x64xf32>
    %concatenate3A_465 = tpu.concatenate %slice3A_462, %broadcast_in_dim3A_464 in 1 : vector<3x4032xf32>, vector<3x64xf32> -> vector<3x4096xf32>
    %get3A_466 = arith.constant 0 : index
    %get3A_467 = arith.constant 1 : index
    %get3A_468 = arith.constant 0 : index
    %get3A_469 = arith.constant 0 : index
    %get3A_470 = arith.constant 0 : index
    %get3A_471 = vector.load %arg1[%get3A_466, %get3A_467, %get3A_468, %get3A_469, %get3A_470] : memref<1x4x3x64x64xf32, #tpu.memory_space<vmem>>, vector<1x1x3x64x64xf32>
    %get3A_472 = vector.shape_cast %get3A_471 : vector<1x1x3x64x64xf32> to vector<3x64x64xf32>
    %reshape3A_473 = vector.shape_cast %get3A_472 : vector<3x64x64xf32> to vector<3x4096xf32>
    %slice3A_474 = vector.extract_strided_slice %reshape3A_473 {offsets = [0, 64], sizes = [3, 4032], strides = [1, 1]} : vector<3x4096xf32> to vector<3x4032xf32>
    %broadcast_in_dim3A_475 = arith.constant 0.000000e+00 : f32
    %broadcast_in_dim3A_476 = vector.broadcast %broadcast_in_dim3A_475 : f32 to vector<3x64xf32>
    %concatenate3A_477 = tpu.concatenate %slice3A_474, %broadcast_in_dim3A_476 in 1 : vector<3x4032xf32>, vector<3x64xf32> -> vector<3x4096xf32>
    %get3A_478 = arith.constant 0 : index
    %get3A_479 = arith.constant 0 : index
    %get3A_480 = arith.constant 0 : index
    %get3A_481 = arith.constant 0 : index
    %get3A_482 = arith.constant 0 : index
    %get3A_483 = vector.load %arg1[%get3A_478, %get3A_479, %get3A_480, %get3A_481, %get3A_482] : memref<1x4x3x64x64xf32, #tpu.memory_space<vmem>>, vector<1x1x3x64x64xf32>
    %get3A_484 = vector.shape_cast %get3A_483 : vector<1x1x3x64x64xf32> to vector<3x64x64xf32>
    %reshape3A_485 = vector.shape_cast %get3A_484 : vector<3x64x64xf32> to vector<3x4096xf32>
    %slice3A_486 = vector.extract_strided_slice %reshape3A_485 {offsets = [0, 65], sizes = [3, 4031], strides = [1, 1]} : vector<3x4096xf32> to vector<3x4031xf32>
    %broadcast_in_dim3A_487 = arith.constant 0.000000e+00 : f32
    %broadcast_in_dim3A_488 = vector.broadcast %broadcast_in_dim3A_487 : f32 to vector<3x65xf32>
    %concatenate3A_489 = tpu.concatenate %slice3A_486, %broadcast_in_dim3A_488 in 1 : vector<3x4031xf32>, vector<3x65xf32> -> vector<3x4096xf32>
    %lt3A_490 = arith.constant 63 : i32
    %lt3A_491 = vector.broadcast %lt3A_490 : i32 to vector<1x4096xi32>
    %lt3A_492 = arith.cmpi slt, %select_n3A_18, %lt3A_491 : vector<1x4096xi32>
    %jit3A_493 = arith.constant 0.000000e+00 : f32
    %broadcast_in_dim3A_494 = vector.shape_cast %lt3A_492 : vector<1x4096xi1> to vector<1x4096xi1>
    %broadcast_in_dim3A_495 = vector.broadcast %broadcast_in_dim3A_494 : vector<1x4096xi1> to vector<3x4096xi1>
    %broadcast_in_dim3A_496 = vector.broadcast %jit3A_493 : f32 to vector<3x4096xf32>
    %select_n3A_497 = arith.select %broadcast_in_dim3A_495, %concatenate3A_489, %broadcast_in_dim3A_496 : vector<3x4096xi1>, vector<3x4096xf32>
    %get3A_498 = arith.constant 0 : index
    %get3A_499 = arith.constant 1 : index
    %get3A_500 = arith.constant 0 : index
    %get3A_501 = arith.constant 0 : index
    %get3A_502 = arith.constant 0 : index
    %get3A_503 = vector.load %arg1[%get3A_498, %get3A_499, %get3A_500, %get3A_501, %get3A_502] : memref<1x4x3x64x64xf32, #tpu.memory_space<vmem>>, vector<1x1x3x64x64xf32>
    %get3A_504 = vector.shape_cast %get3A_503 : vector<1x1x3x64x64xf32> to vector<3x64x64xf32>
    %reshape3A_505 = vector.shape_cast %get3A_504 : vector<3x64x64xf32> to vector<3x4096xf32>
    %slice3A_506 = vector.extract_strided_slice %reshape3A_505 {offsets = [0, 65], sizes = [3, 4031], strides = [1, 1]} : vector<3x4096xf32> to vector<3x4031xf32>
    %broadcast_in_dim3A_507 = arith.constant 0.000000e+00 : f32
    %broadcast_in_dim3A_508 = vector.broadcast %broadcast_in_dim3A_507 : f32 to vector<3x65xf32>
    %concatenate3A_509 = tpu.concatenate %slice3A_506, %broadcast_in_dim3A_508 in 1 : vector<3x4031xf32>, vector<3x65xf32> -> vector<3x4096xf32>
    %lt3A_510 = arith.constant 63 : i32
    %lt3A_511 = vector.broadcast %lt3A_510 : i32 to vector<1x4096xi32>
    %lt3A_512 = arith.cmpi slt, %select_n3A_18, %lt3A_511 : vector<1x4096xi32>
    %jit3A_513 = arith.constant 0.000000e+00 : f32
    %broadcast_in_dim3A_514 = vector.shape_cast %lt3A_512 : vector<1x4096xi1> to vector<1x4096xi1>
    %broadcast_in_dim3A_515 = vector.broadcast %broadcast_in_dim3A_514 : vector<1x4096xi1> to vector<3x4096xi1>
    %broadcast_in_dim3A_516 = vector.broadcast %jit3A_513 : f32 to vector<3x4096xf32>
    %select_n3A_517 = arith.select %broadcast_in_dim3A_515, %concatenate3A_509, %broadcast_in_dim3A_516 : vector<3x4096xi1>, vector<3x4096xf32>
    %get3A_518 = arith.constant 0 : index
    %get3A_519 = arith.constant 2 : index
    %get3A_520 = arith.constant 0 : index
    %get3A_521 = arith.constant 0 : index
    %get3A_522 = arith.constant 0 : index
    %get3A_523 = vector.load %arg1[%get3A_518, %get3A_519, %get3A_520, %get3A_521, %get3A_522] : memref<1x4x3x64x64xf32, #tpu.memory_space<vmem>>, vector<1x1x3x64x64xf32>
    %get3A_524 = vector.shape_cast %get3A_523 : vector<1x1x3x64x64xf32> to vector<3x64x64xf32>
    %reshape3A_525 = vector.shape_cast %get3A_524 : vector<3x64x64xf32> to vector<3x4096xf32>
    %slice3A_526 = vector.extract_strided_slice %reshape3A_525 {offsets = [0, 63], sizes = [3, 4033], strides = [1, 1]} : vector<3x4096xf32> to vector<3x4033xf32>
    %broadcast_in_dim3A_527 = arith.constant 0.000000e+00 : f32
    %broadcast_in_dim3A_528 = vector.broadcast %broadcast_in_dim3A_527 : f32 to vector<3x63xf32>
    %concatenate3A_529 = tpu.concatenate %slice3A_526, %broadcast_in_dim3A_528 in 1 : vector<3x4033xf32>, vector<3x63xf32> -> vector<3x4096xf32>
    %ge3A_530 = arith.constant 1 : i32
    %ge3A_531 = vector.broadcast %ge3A_530 : i32 to vector<1x4096xi32>
    %ge3A_532 = arith.cmpi sge, %select_n3A_18, %ge3A_531 : vector<1x4096xi32>
    %jit3A_533 = arith.constant 0.000000e+00 : f32
    %broadcast_in_dim3A_534 = vector.shape_cast %ge3A_532 : vector<1x4096xi1> to vector<1x4096xi1>
    %broadcast_in_dim3A_535 = vector.broadcast %broadcast_in_dim3A_534 : vector<1x4096xi1> to vector<3x4096xi1>
    %broadcast_in_dim3A_536 = vector.broadcast %jit3A_533 : f32 to vector<3x4096xf32>
    %select_n3A_537 = arith.select %broadcast_in_dim3A_535, %concatenate3A_529, %broadcast_in_dim3A_536 : vector<3x4096xi1>, vector<3x4096xf32>
    %get3A_538 = arith.constant 0 : index
    %get3A_539 = arith.constant 3 : index
    %get3A_540 = arith.constant 0 : index
    %get3A_541 = arith.constant 0 : index
    %get3A_542 = arith.constant 0 : index
    %get3A_543 = vector.load %arg1[%get3A_538, %get3A_539, %get3A_540, %get3A_541, %get3A_542] : memref<1x4x3x64x64xf32, #tpu.memory_space<vmem>>, vector<1x1x3x64x64xf32>
    %get3A_544 = vector.shape_cast %get3A_543 : vector<1x1x3x64x64xf32> to vector<3x64x64xf32>
    %reshape3A_545 = vector.shape_cast %get3A_544 : vector<3x64x64xf32> to vector<3x4096xf32>
    %slice3A_546 = vector.extract_strided_slice %reshape3A_545 {offsets = [0, 63], sizes = [3, 4033], strides = [1, 1]} : vector<3x4096xf32> to vector<3x4033xf32>
    %broadcast_in_dim3A_547 = arith.constant 0.000000e+00 : f32
    %broadcast_in_dim3A_548 = vector.broadcast %broadcast_in_dim3A_547 : f32 to vector<3x63xf32>
    %concatenate3A_549 = tpu.concatenate %slice3A_546, %broadcast_in_dim3A_548 in 1 : vector<3x4033xf32>, vector<3x63xf32> -> vector<3x4096xf32>
    %ge3A_550 = arith.constant 1 : i32
    %ge3A_551 = vector.broadcast %ge3A_550 : i32 to vector<1x4096xi32>
    %ge3A_552 = arith.cmpi sge, %select_n3A_18, %ge3A_551 : vector<1x4096xi32>
    %jit3A_553 = arith.constant 0.000000e+00 : f32
    %broadcast_in_dim3A_554 = vector.shape_cast %ge3A_552 : vector<1x4096xi1> to vector<1x4096xi1>
    %broadcast_in_dim3A_555 = vector.broadcast %broadcast_in_dim3A_554 : vector<1x4096xi1> to vector<3x4096xi1>
    %broadcast_in_dim3A_556 = vector.broadcast %jit3A_553 : f32 to vector<3x4096xf32>
    %select_n3A_557 = arith.select %broadcast_in_dim3A_555, %concatenate3A_549, %broadcast_in_dim3A_556 : vector<3x4096xi1>, vector<3x4096xf32>
    %get3A_558 = arith.constant 0 : index
    %get3A_559 = arith.constant 2 : index
    %get3A_560 = arith.constant 0 : index
    %get3A_561 = arith.constant 0 : index
    %get3A_562 = arith.constant 0 : index
    %get3A_563 = vector.load %arg1[%get3A_558, %get3A_559, %get3A_560, %get3A_561, %get3A_562] : memref<1x4x3x64x64xf32, #tpu.memory_space<vmem>>, vector<1x1x3x64x64xf32>
    %get3A_564 = vector.shape_cast %get3A_563 : vector<1x1x3x64x64xf32> to vector<3x64x64xf32>
    %reshape3A_565 = vector.shape_cast %get3A_564 : vector<3x64x64xf32> to vector<3x4096xf32>
    %slice3A_566 = vector.extract_strided_slice %reshape3A_565 {offsets = [0, 64], sizes = [3, 4032], strides = [1, 1]} : vector<3x4096xf32> to vector<3x4032xf32>
    %broadcast_in_dim3A_567 = arith.constant 0.000000e+00 : f32
    %broadcast_in_dim3A_568 = vector.broadcast %broadcast_in_dim3A_567 : f32 to vector<3x64xf32>
    %concatenate3A_569 = tpu.concatenate %slice3A_566, %broadcast_in_dim3A_568 in 1 : vector<3x4032xf32>, vector<3x64xf32> -> vector<3x4096xf32>
    %get3A_570 = arith.constant 0 : index
    %get3A_571 = arith.constant 3 : index
    %get3A_572 = arith.constant 0 : index
    %get3A_573 = arith.constant 0 : index
    %get3A_574 = arith.constant 0 : index
    %get3A_575 = vector.load %arg1[%get3A_570, %get3A_571, %get3A_572, %get3A_573, %get3A_574] : memref<1x4x3x64x64xf32, #tpu.memory_space<vmem>>, vector<1x1x3x64x64xf32>
    %get3A_576 = vector.shape_cast %get3A_575 : vector<1x1x3x64x64xf32> to vector<3x64x64xf32>
    %reshape3A_577 = vector.shape_cast %get3A_576 : vector<3x64x64xf32> to vector<3x4096xf32>
    %slice3A_578 = vector.extract_strided_slice %reshape3A_577 {offsets = [0, 64], sizes = [3, 4032], strides = [1, 1]} : vector<3x4096xf32> to vector<3x4032xf32>
    %broadcast_in_dim3A_579 = arith.constant 0.000000e+00 : f32
    %broadcast_in_dim3A_580 = vector.broadcast %broadcast_in_dim3A_579 : f32 to vector<3x64xf32>
    %concatenate3A_581 = tpu.concatenate %slice3A_578, %broadcast_in_dim3A_580 in 1 : vector<3x4032xf32>, vector<3x64xf32> -> vector<3x4096xf32>
    %get3A_582 = arith.constant 0 : index
    %get3A_583 = arith.constant 2 : index
    %get3A_584 = arith.constant 0 : index
    %get3A_585 = arith.constant 0 : index
    %get3A_586 = arith.constant 0 : index
    %get3A_587 = vector.load %arg1[%get3A_582, %get3A_583, %get3A_584, %get3A_585, %get3A_586] : memref<1x4x3x64x64xf32, #tpu.memory_space<vmem>>, vector<1x1x3x64x64xf32>
    %get3A_588 = vector.shape_cast %get3A_587 : vector<1x1x3x64x64xf32> to vector<3x64x64xf32>
    %reshape3A_589 = vector.shape_cast %get3A_588 : vector<3x64x64xf32> to vector<3x4096xf32>
    %slice3A_590 = vector.extract_strided_slice %reshape3A_589 {offsets = [0, 65], sizes = [3, 4031], strides = [1, 1]} : vector<3x4096xf32> to vector<3x4031xf32>
    %broadcast_in_dim3A_591 = arith.constant 0.000000e+00 : f32
    %broadcast_in_dim3A_592 = vector.broadcast %broadcast_in_dim3A_591 : f32 to vector<3x65xf32>
    %concatenate3A_593 = tpu.concatenate %slice3A_590, %broadcast_in_dim3A_592 in 1 : vector<3x4031xf32>, vector<3x65xf32> -> vector<3x4096xf32>
    %lt3A_594 = arith.constant 63 : i32
    %lt3A_595 = vector.broadcast %lt3A_594 : i32 to vector<1x4096xi32>
    %lt3A_596 = arith.cmpi slt, %select_n3A_18, %lt3A_595 : vector<1x4096xi32>
    %jit3A_597 = arith.constant 0.000000e+00 : f32
    %broadcast_in_dim3A_598 = vector.shape_cast %lt3A_596 : vector<1x4096xi1> to vector<1x4096xi1>
    %broadcast_in_dim3A_599 = vector.broadcast %broadcast_in_dim3A_598 : vector<1x4096xi1> to vector<3x4096xi1>
    %broadcast_in_dim3A_600 = vector.broadcast %jit3A_597 : f32 to vector<3x4096xf32>
    %select_n3A_601 = arith.select %broadcast_in_dim3A_599, %concatenate3A_593, %broadcast_in_dim3A_600 : vector<3x4096xi1>, vector<3x4096xf32>
    %get3A_602 = arith.constant 0 : index
    %get3A_603 = arith.constant 3 : index
    %get3A_604 = arith.constant 0 : index
    %get3A_605 = arith.constant 0 : index
    %get3A_606 = arith.constant 0 : index
    %get3A_607 = vector.load %arg1[%get3A_602, %get3A_603, %get3A_604, %get3A_605, %get3A_606] : memref<1x4x3x64x64xf32, #tpu.memory_space<vmem>>, vector<1x1x3x64x64xf32>
    %get3A_608 = vector.shape_cast %get3A_607 : vector<1x1x3x64x64xf32> to vector<3x64x64xf32>
    %reshape3A_609 = vector.shape_cast %get3A_608 : vector<3x64x64xf32> to vector<3x4096xf32>
    %slice3A_610 = vector.extract_strided_slice %reshape3A_609 {offsets = [0, 65], sizes = [3, 4031], strides = [1, 1]} : vector<3x4096xf32> to vector<3x4031xf32>
    %broadcast_in_dim3A_611 = arith.constant 0.000000e+00 : f32
    %broadcast_in_dim3A_612 = vector.broadcast %broadcast_in_dim3A_611 : f32 to vector<3x65xf32>
    %concatenate3A_613 = tpu.concatenate %slice3A_610, %broadcast_in_dim3A_612 in 1 : vector<3x4031xf32>, vector<3x65xf32> -> vector<3x4096xf32>
    %lt3A_614 = arith.constant 63 : i32
    %lt3A_615 = vector.broadcast %lt3A_614 : i32 to vector<1x4096xi32>
    %lt3A_616 = arith.cmpi slt, %select_n3A_18, %lt3A_615 : vector<1x4096xi32>
    %jit3A_617 = arith.constant 0.000000e+00 : f32
    %broadcast_in_dim3A_618 = vector.shape_cast %lt3A_616 : vector<1x4096xi1> to vector<1x4096xi1>
    %broadcast_in_dim3A_619 = vector.broadcast %broadcast_in_dim3A_618 : vector<1x4096xi1> to vector<3x4096xi1>
    %broadcast_in_dim3A_620 = vector.broadcast %jit3A_617 : f32 to vector<3x4096xf32>
    %select_n3A_621 = arith.select %broadcast_in_dim3A_619, %concatenate3A_613, %broadcast_in_dim3A_620 : vector<3x4096xi1>, vector<3x4096xf32>
    %concatenate3A_622 = tpu.concatenate %select_n3A_33, %select_n3A_53, %concatenate3A_65, %concatenate3A_77, %select_n3A_97, %select_n3A_137, %select_n3A_157, %concatenate3A_169, %concatenate3A_181, %select_n3A_201, %select_n3A_241, %select_n3A_261, %reshape3A_269, %reshape3A_277, %select_n3A_297, %select_n3A_337, %select_n3A_357, %reshape3A_365, %reshape3A_373, %select_n3A_393, %select_n3A_433, %select_n3A_453, %concatenate3A_465, %concatenate3A_477, %select_n3A_497 in 0 : vector<3x4096xf32>, vector<3x4096xf32>, vector<3x4096xf32>, vector<3x4096xf32>, vector<3x4096xf32>, vector<3x4096xf32>, vector<3x4096xf32>, vector<3x4096xf32>, vector<3x4096xf32>, vector<3x4096xf32>, vector<3x4096xf32>, vector<3x4096xf32>, vector<3x4096xf32>, vector<3x4096xf32>, vector<3x4096xf32>, vector<3x4096xf32>, vector<3x4096xf32>, vector<3x4096xf32>, vector<3x4096xf32>, vector<3x4096xf32>, vector<3x4096xf32>, vector<3x4096xf32>, vector<3x4096xf32>, vector<3x4096xf32>, vector<3x4096xf32> -> vector<75x4096xf32>
    %dot_general3A = arith.constant dense<0.000000e+00> : vector<4096x32xf32>
    %dot_general3A_623 = tpu.matmul %concatenate3A_622, %get3A_1, %dot_general3A {dimension_numbers = #tpu.dot_dimension_numbers<[0], [1], [1], [0], [0, 1, 1, 0], [], []>, transpose_lhs_hint = false} : vector<75x4096xf32>, vector<32x75xf32>, vector<4096x32xf32> -> vector<4096x32xf32>
    %concatenate3A_624 = tpu.concatenate %select_n3A_53, %concatenate3A_65, %concatenate3A_77, %select_n3A_97, %select_n3A_117, %select_n3A_157, %concatenate3A_169, %concatenate3A_181, %select_n3A_201, %select_n3A_221, %select_n3A_261, %reshape3A_269, %reshape3A_277, %select_n3A_297, %select_n3A_317, %select_n3A_357, %reshape3A_365, %reshape3A_373, %select_n3A_393, %select_n3A_413, %select_n3A_453, %concatenate3A_465, %concatenate3A_477, %select_n3A_497, %select_n3A_517 in 0 : vector<3x4096xf32>, vector<3x4096xf32>, vector<3x4096xf32>, vector<3x4096xf32>, vector<3x4096xf32>, vector<3x4096xf32>, vector<3x4096xf32>, vector<3x4096xf32>, vector<3x4096xf32>, vector<3x4096xf32>, vector<3x4096xf32>, vector<3x4096xf32>, vector<3x4096xf32>, vector<3x4096xf32>, vector<3x4096xf32>, vector<3x4096xf32>, vector<3x4096xf32>, vector<3x4096xf32>, vector<3x4096xf32>, vector<3x4096xf32>, vector<3x4096xf32>, vector<3x4096xf32>, vector<3x4096xf32>, vector<3x4096xf32>, vector<3x4096xf32> -> vector<75x4096xf32>
    %dot_general3A_625 = arith.constant dense<0.000000e+00> : vector<4096x32xf32>
    %dot_general3A_626 = tpu.matmul %concatenate3A_624, %get3A_1, %dot_general3A_625 {dimension_numbers = #tpu.dot_dimension_numbers<[0], [1], [1], [0], [0, 1, 1, 0], [], []>, transpose_lhs_hint = false} : vector<75x4096xf32>, vector<32x75xf32>, vector<4096x32xf32> -> vector<4096x32xf32>
    %max3A = arith.maximumf %dot_general3A_623, %dot_general3A_626 : vector<4096x32xf32>
    %concatenate3A_627 = tpu.concatenate %select_n3A_137, %select_n3A_157, %concatenate3A_169, %concatenate3A_181, %select_n3A_201, %select_n3A_241, %select_n3A_261, %reshape3A_269, %reshape3A_277, %select_n3A_297, %select_n3A_337, %select_n3A_357, %reshape3A_365, %reshape3A_373, %select_n3A_393, %select_n3A_433, %select_n3A_453, %concatenate3A_465, %concatenate3A_477, %select_n3A_497, %select_n3A_537, %select_n3A_557, %concatenate3A_569, %concatenate3A_581, %select_n3A_601 in 0 : vector<3x4096xf32>, vector<3x4096xf32>, vector<3x4096xf32>, vector<3x4096xf32>, vector<3x4096xf32>, vector<3x4096xf32>, vector<3x4096xf32>, vector<3x4096xf32>, vector<3x4096xf32>, vector<3x4096xf32>, vector<3x4096xf32>, vector<3x4096xf32>, vector<3x4096xf32>, vector<3x4096xf32>, vector<3x4096xf32>, vector<3x4096xf32>, vector<3x4096xf32>, vector<3x4096xf32>, vector<3x4096xf32>, vector<3x4096xf32>, vector<3x4096xf32>, vector<3x4096xf32>, vector<3x4096xf32>, vector<3x4096xf32>, vector<3x4096xf32> -> vector<75x4096xf32>
    %dot_general3A_628 = arith.constant dense<0.000000e+00> : vector<4096x32xf32>
    %dot_general3A_629 = tpu.matmul %concatenate3A_627, %get3A_1, %dot_general3A_628 {dimension_numbers = #tpu.dot_dimension_numbers<[0], [1], [1], [0], [0, 1, 1, 0], [], []>, transpose_lhs_hint = false} : vector<75x4096xf32>, vector<32x75xf32>, vector<4096x32xf32> -> vector<4096x32xf32>
    %max3A_630 = arith.maximumf %max3A, %dot_general3A_629 : vector<4096x32xf32>
    %concatenate3A_631 = tpu.concatenate %select_n3A_157, %concatenate3A_169, %concatenate3A_181, %select_n3A_201, %select_n3A_221, %select_n3A_261, %reshape3A_269, %reshape3A_277, %select_n3A_297, %select_n3A_317, %select_n3A_357, %reshape3A_365, %reshape3A_373, %select_n3A_393, %select_n3A_413, %select_n3A_453, %concatenate3A_465, %concatenate3A_477, %select_n3A_497, %select_n3A_517, %select_n3A_557, %concatenate3A_569, %concatenate3A_581, %select_n3A_601, %select_n3A_621 in 0 : vector<3x4096xf32>, vector<3x4096xf32>, vector<3x4096xf32>, vector<3x4096xf32>, vector<3x4096xf32>, vector<3x4096xf32>, vector<3x4096xf32>, vector<3x4096xf32>, vector<3x4096xf32>, vector<3x4096xf32>, vector<3x4096xf32>, vector<3x4096xf32>, vector<3x4096xf32>, vector<3x4096xf32>, vector<3x4096xf32>, vector<3x4096xf32>, vector<3x4096xf32>, vector<3x4096xf32>, vector<3x4096xf32>, vector<3x4096xf32>, vector<3x4096xf32>, vector<3x4096xf32>, vector<3x4096xf32>, vector<3x4096xf32>, vector<3x4096xf32> -> vector<75x4096xf32>
    %dot_general3A_632 = arith.constant dense<0.000000e+00> : vector<4096x32xf32>
    %dot_general3A_633 = tpu.matmul %concatenate3A_631, %get3A_1, %dot_general3A_632 {dimension_numbers = #tpu.dot_dimension_numbers<[0], [1], [1], [0], [0, 1, 1, 0], [], []>, transpose_lhs_hint = false} : vector<75x4096xf32>, vector<32x75xf32>, vector<4096x32xf32> -> vector<4096x32xf32>
    %max3A_634 = arith.maximumf %max3A_630, %dot_general3A_633 : vector<4096x32xf32>
    %add3A_635 = vector.broadcast %get3A_4 : vector<1x32xf32> to vector<4096x32xf32>
    %add3A_636 = arith.addf %max3A_634, %add3A_635 : vector<4096x32xf32>
    %max3A_637 = arith.constant 0.000000e+00 : f32
    %max3A_638 = vector.broadcast %max3A_637 : f32 to vector<4096x32xf32>
    %max3A_639 = arith.maximumf %add3A_636, %max3A_638 : vector<4096x32xf32>
    %swap3A = arith.constant 0 : index
    %swap3A_640 = arith.constant 0 : index
    %swap3A_641 = arith.constant 0 : index
    %swap3A_642 = vector.load %arg4[%swap3A, %swap3A_640, %swap3A_641] : memref<1x4096x32xf32, #tpu.memory_space<vmem>>, vector<1x4096x32xf32>
    %swap3A_643 = vector.shape_cast %swap3A_642 : vector<1x4096x32xf32> to vector<4096x32xf32>
    %swap3A_644 = vector.shape_cast %max3A_639 : vector<4096x32xf32> to vector<1x4096x32xf32>
    tpu.vector_store %arg4[%swap3A, %swap3A_640, %swap3A_641], %swap3A_644 {strides = array<i32>} : memref<1x4096x32xf32, #tpu.memory_space<vmem>>, vector<1x4096x32xf32>,
    return
  }
  func.func @transform_0(%arg0: i32) -> (i32, i32, i32, i32, i32) {
    %c0_i32 = arith.constant 0 : i32
    %c0_i32_0 = arith.constant 0 : i32
    %c0_i32_1 = arith.constant 0 : i32
    %c0_i32_2 = arith.constant 0 : i32
    %c0_i32_3 = arith.constant 0 : i32
    return %arg0, %c0_i32, %c0_i32_0, %c0_i32_1, %c0_i32_2 : i32, i32, i32, i32, i32
  }
  func.func @transform_1(%arg0: i32) -> (i32, i32) {
    %c0_i32 = arith.constant 0 : i32
    %c0_i32_0 = arith.constant 0 : i32
    %c0_i32_1 = arith.constant 0 : i32
    return %c0_i32, %c0_i32_0 : i32, i32
  }
  func.func @transform_2(%arg0: i32) -> (i32, i32) {
    %c0_i32 = arith.constant 0 : i32
    %c0_i32_0 = arith.constant 0 : i32
    %c0_i32_1 = arith.constant 0 : i32
    return %c0_i32, %c0_i32_0 : i32, i32
  }
  func.func @transform_3(%arg0: i32) -> (i32, i32, i32) {
    %c0_i32 = arith.constant 0 : i32
    %c0_i32_0 = arith.constant 0 : i32
    %c0_i32_1 = arith.constant 0 : i32
    return %arg0, %c0_i32, %c0_i32_0 : i32, i32, i32
  }
}

module attributes {stable_mosaic.version = 14 : i64} {
  func.func @_bn_body(%arg0: memref<4096x512xf32, #tpu.memory_space<vmem>>, %arg1: memref<512x32xf32, #tpu.memory_space<vmem>>, %arg2: memref<4096x512xf32, #tpu.memory_space<vmem>>) attributes {dimension_semantics = [], scalar_prefetch = 0 : i64, scratch_operands = 0 : i64, tpu.core_type = #tpu.core_type<tc>} {
    %get3A = arith.constant 0 : index
    %get3A_0 = arith.constant 0 : index
    %get3A_1 = vector.load %arg0[%get3A, %get3A_0] : memref<4096x512xf32, #tpu.memory_space<vmem>>, vector<4096x512xf32>
    %get3A_2 = arith.constant 0 : index
    %get3A_3 = arith.constant 0 : index
    %get3A_4 = vector.load %arg1[%get3A_2, %get3A_3] : memref<512x32xf32, #tpu.memory_space<vmem>>, vector<512x32xf32>
    %reduce_sum3A = arith.constant dense<0.000000e+00> : vector<512xf32>
    %reduce_sum3A_5 = vector.multi_reduction <add>, %get3A_1, %reduce_sum3A [0] : vector<4096x512xf32> to vector<512xf32>
    %broadcast_in_dim3A = vector.shape_cast %reduce_sum3A_5 : vector<512xf32> to vector<1x512xf32>
    %mul3A = arith.mulf %get3A_1, %get3A_1 : vector<4096x512xf32>
    %reduce_sum3A_6 = arith.constant dense<0.000000e+00> : vector<512xf32>
    %reduce_sum3A_7 = vector.multi_reduction <add>, %mul3A, %reduce_sum3A_6 [0] : vector<4096x512xf32> to vector<512xf32>
    %broadcast_in_dim3A_8 = vector.shape_cast %reduce_sum3A_7 : vector<512xf32> to vector<1x512xf32>
    %dot_general3A = arith.constant dense<0.000000e+00> : vector<1x32xf32>
    %dot_general3A_9 = tpu.matmul %broadcast_in_dim3A, %get3A_4, %dot_general3A {dimension_numbers = #tpu.dot_dimension_numbers<[1], [0], [0], [1], [0, 0, 1, 1], [], []>, transpose_lhs_hint = false} : vector<1x512xf32>, vector<512x32xf32>, vector<1x32xf32> -> vector<1x32xf32>
    %dot_general3A_10 = arith.constant dense<0.000000e+00> : vector<1x32xf32>
    %dot_general3A_11 = tpu.matmul %broadcast_in_dim3A_8, %get3A_4, %dot_general3A_10 {dimension_numbers = #tpu.dot_dimension_numbers<[1], [0], [0], [1], [0, 0, 1, 1], [], []>, transpose_lhs_hint = false} : vector<1x512xf32>, vector<512x32xf32>, vector<1x32xf32> -> vector<1x32xf32>
    %div3A = arith.constant 6.553600e+04 : f32
    %div3A_12 = vector.broadcast %div3A : f32 to vector<1x32xf32>
    %div3A_13 = arith.divf %dot_general3A_9, %div3A_12 : vector<1x32xf32>
    %div3A_14 = arith.constant 6.553600e+04 : f32
    %div3A_15 = vector.broadcast %div3A_14 : f32 to vector<1x32xf32>
    %div3A_16 = arith.divf %dot_general3A_11, %div3A_15 : vector<1x32xf32>
    %mul3A_17 = arith.mulf %div3A_13, %div3A_13 : vector<1x32xf32>
    %sub3A = arith.subf %div3A_16, %mul3A_17 : vector<1x32xf32>
    %add3A = arith.constant 9.99999974E-6 : f32
    %add3A_18 = vector.broadcast %add3A : f32 to vector<1x32xf32>
    %add3A_19 = arith.addf %sub3A, %add3A_18 : vector<1x32xf32>
    %rsqrt3A = math.rsqrt %add3A_19 : vector<1x32xf32>
    %dot_general3A_20 = arith.constant dense<0.000000e+00> : vector<1x512xf32>
    %dot_general3A_21 = tpu.matmul %div3A_13, %get3A_4, %dot_general3A_20 {dimension_numbers = #tpu.dot_dimension_numbers<[1], [1], [0], [0], [0, 0, 1, 0], [], []>, transpose_lhs_hint = false} : vector<1x32xf32>, vector<512x32xf32>, vector<1x512xf32> -> vector<1x512xf32>
    %dot_general3A_22 = arith.constant dense<0.000000e+00> : vector<1x512xf32>
    %dot_general3A_23 = tpu.matmul %rsqrt3A, %get3A_4, %dot_general3A_22 {dimension_numbers = #tpu.dot_dimension_numbers<[1], [1], [0], [0], [0, 0, 1, 0], [], []>, transpose_lhs_hint = false} : vector<1x32xf32>, vector<512x32xf32>, vector<1x512xf32> -> vector<1x512xf32>
    %sub3A_24 = vector.broadcast %dot_general3A_21 : vector<1x512xf32> to vector<4096x512xf32>
    %sub3A_25 = arith.subf %get3A_1, %sub3A_24 : vector<4096x512xf32>
    %mul3A_26 = vector.broadcast %dot_general3A_23 : vector<1x512xf32> to vector<4096x512xf32>
    %mul3A_27 = arith.mulf %sub3A_25, %mul3A_26 : vector<4096x512xf32>
    %swap3A = arith.constant 0 : index
    %swap3A_28 = arith.constant 0 : index
    %swap3A_29 = vector.load %arg2[%swap3A, %swap3A_28] : memref<4096x512xf32, #tpu.memory_space<vmem>>, vector<4096x512xf32>
    tpu.vector_store %arg2[%swap3A, %swap3A_28], %mul3A_27 {strides = array<i32>} : memref<4096x512xf32, #tpu.memory_space<vmem>>, vector<4096x512xf32>,
    return
  }
}

module attributes {stable_mosaic.version = 14 : i64} {
  func.func @_cheb_body(%arg0: i32, %arg1: memref<512x4096xf32, #tpu.memory_space<vmem>>, %arg2: memref<4096x512xf32, #tpu.memory_space<vmem>>, %arg3: memref<512x512xf32, #tpu.memory_space<vmem>>, %arg4: memref<512x512xf32, #tpu.memory_space<vmem>>) attributes {dimension_semantics = [#tpu.dimension_semantics<arbitrary>], iteration_bounds = array<i64: 8>, scalar_prefetch = 0 : i64, scratch_operands = 0 : i64, tpu.core_type = #tpu.core_type<tc>, window_params = [{transform_indices = @transform_0, window_bounds = array<i64: 512, 4096>}, {pipeline_mode = #tpu.pipeline_mode<synchronous>, transform_indices = @transform_1, window_bounds = array<i64: 4096, 512>}, {transform_indices = @transform_2, window_bounds = array<i64: 512, 512>}, {transform_indices = @transform_3, window_bounds = array<i64: 512, 512>}]} {
    %get3A = arith.constant 0 : index
    %get3A_0 = arith.constant 0 : index
    %get3A_1 = vector.load %arg1[%get3A, %get3A_0] : memref<512x4096xf32, #tpu.memory_space<vmem>>, vector<512x4096xf32>
    %get3A_2 = arith.constant 0 : index
    %get3A_3 = arith.constant 0 : index
    %get3A_4 = vector.load %arg2[%get3A_2, %get3A_3] : memref<4096x512xf32, #tpu.memory_space<vmem>>, vector<4096x512xf32>
    %dot_general3A = arith.constant dense<0.000000e+00> : vector<512x512xf32>
    %dot_general3A_5 = tpu.matmul %get3A_1, %get3A_4, %dot_general3A {dimension_numbers = #tpu.dot_dimension_numbers<[1], [0], [0], [1], [0, 0, 1, 1], [], []>, transpose_lhs_hint = false} : vector<512x4096xf32>, vector<4096x512xf32>, vector<512x512xf32> -> vector<512x512xf32>
    %mul3A = arith.constant 1.000000e+00 : f32
    %mul3A_6 = vector.broadcast %mul3A : f32 to vector<512x512xf32>
    %mul3A_7 = arith.mulf %mul3A_6, %dot_general3A_5 : vector<512x512xf32>
    %get3A_8 = arith.constant 0 : index
    %get3A_9 = arith.constant 0 : index
    %get3A_10 = vector.load %arg3[%get3A_8, %get3A_9] : memref<512x512xf32, #tpu.memory_space<vmem>>, vector<512x512xf32>
    %mul3A_11 = arith.constant 0.000000e+00 : f32
    %mul3A_12 = vector.broadcast %mul3A_11 : f32 to vector<512x512xf32>
    %mul3A_13 = arith.mulf %mul3A_12, %get3A_10 : vector<512x512xf32>
    %add3A = arith.addf %mul3A_7, %mul3A_13 : vector<512x512xf32>
    %swap3A = arith.constant 0 : index
    %swap3A_14 = arith.constant 0 : index
    %swap3A_15 = vector.load %arg4[%swap3A, %swap3A_14] : memref<512x512xf32, #tpu.memory_space<vmem>>, vector<512x512xf32>
    tpu.vector_store %arg4[%swap3A, %swap3A_14], %add3A {strides = array<i32>} : memref<512x512xf32, #tpu.memory_space<vmem>>, vector<512x512xf32>,
    return
  }
  func.func @transform_0(%arg0: i32) -> (i32, i32) {
    %c0_i32 = arith.constant 0 : i32
    %c0_i32_0 = arith.constant 0 : i32
    return %arg0, %c0_i32 : i32, i32
  }
  func.func @transform_1(%arg0: i32) -> (i32, i32) {
    %c0_i32 = arith.constant 0 : i32
    %c0_i32_0 = arith.constant 0 : i32
    %c0_i32_1 = arith.constant 0 : i32
    return %c0_i32, %c0_i32_0 : i32, i32
  }
  func.func @transform_2(%arg0: i32) -> (i32, i32) {
    %c0_i32 = arith.constant 0 : i32
    %c0_i32_0 = arith.constant 0 : i32
    return %arg0, %c0_i32 : i32, i32
  }
  func.func @transform_3(%arg0: i32) -> (i32, i32) {
    %c0_i32 = arith.constant 0 : i32
    %c0_i32_0 = arith.constant 0 : i32
    return %arg0, %c0_i32 : i32, i32
  }
}

module attributes {stable_mosaic.version = 14 : i64} {
  func.func @_cheb_body(%arg0: i32, %arg1: memref<512x4096xf32, #tpu.memory_space<vmem>>, %arg2: memref<4096x512xf32, #tpu.memory_space<vmem>>, %arg3: memref<512x512xf32, #tpu.memory_space<vmem>>, %arg4: memref<512x512xf32, #tpu.memory_space<vmem>>) attributes {dimension_semantics = [#tpu.dimension_semantics<arbitrary>], iteration_bounds = array<i64: 8>, scalar_prefetch = 0 : i64, scratch_operands = 0 : i64, tpu.core_type = #tpu.core_type<tc>, window_params = [{transform_indices = @transform_0, window_bounds = array<i64: 512, 4096>}, {pipeline_mode = #tpu.pipeline_mode<synchronous>, transform_indices = @transform_1, window_bounds = array<i64: 4096, 512>}, {transform_indices = @transform_2, window_bounds = array<i64: 512, 512>}, {transform_indices = @transform_3, window_bounds = array<i64: 512, 512>}]} {
    %get3A = arith.constant 0 : index
    %get3A_0 = arith.constant 0 : index
    %get3A_1 = vector.load %arg1[%get3A, %get3A_0] : memref<512x4096xf32, #tpu.memory_space<vmem>>, vector<512x4096xf32>
    %get3A_2 = arith.constant 0 : index
    %get3A_3 = arith.constant 0 : index
    %get3A_4 = vector.load %arg2[%get3A_2, %get3A_3] : memref<4096x512xf32, #tpu.memory_space<vmem>>, vector<4096x512xf32>
    %dot_general3A = arith.constant dense<0.000000e+00> : vector<512x512xf32>
    %dot_general3A_5 = tpu.matmul %get3A_1, %get3A_4, %dot_general3A {dimension_numbers = #tpu.dot_dimension_numbers<[1], [0], [0], [1], [0, 0, 1, 1], [], []>, transpose_lhs_hint = false} : vector<512x4096xf32>, vector<4096x512xf32>, vector<512x512xf32> -> vector<512x512xf32>
    %mul3A = arith.constant 2.000000e+00 : f32
    %mul3A_6 = vector.broadcast %mul3A : f32 to vector<512x512xf32>
    %mul3A_7 = arith.mulf %mul3A_6, %dot_general3A_5 : vector<512x512xf32>
    %get3A_8 = arith.constant 0 : index
    %get3A_9 = arith.constant 0 : index
    %get3A_10 = vector.load %arg3[%get3A_8, %get3A_9] : memref<512x512xf32, #tpu.memory_space<vmem>>, vector<512x512xf32>
    %mul3A_11 = arith.constant -1.000000e+00 : f32
    %mul3A_12 = vector.broadcast %mul3A_11 : f32 to vector<512x512xf32>
    %mul3A_13 = arith.mulf %mul3A_12, %get3A_10 : vector<512x512xf32>
    %add3A = arith.addf %mul3A_7, %mul3A_13 : vector<512x512xf32>
    %swap3A = arith.constant 0 : index
    %swap3A_14 = arith.constant 0 : index
    %swap3A_15 = vector.load %arg4[%swap3A, %swap3A_14] : memref<512x512xf32, #tpu.memory_space<vmem>>, vector<512x512xf32>
    tpu.vector_store %arg4[%swap3A, %swap3A_14], %add3A {strides = array<i32>} : memref<512x512xf32, #tpu.memory_space<vmem>>, vector<512x512xf32>,
    return
  }
  func.func @transform_0(%arg0: i32) -> (i32, i32) {
    %c0_i32 = arith.constant 0 : i32
    %c0_i32_0 = arith.constant 0 : i32
    return %arg0, %c0_i32 : i32, i32
  }
  func.func @transform_1(%arg0: i32) -> (i32, i32) {
    %c0_i32 = arith.constant 0 : i32
    %c0_i32_0 = arith.constant 0 : i32
    %c0_i32_1 = arith.constant 0 : i32
    return %c0_i32, %c0_i32_0 : i32, i32
  }
  func.func @transform_2(%arg0: i32) -> (i32, i32) {
    %c0_i32 = arith.constant 0 : i32
    %c0_i32_0 = arith.constant 0 : i32
    return %arg0, %c0_i32 : i32, i32
  }
  func.func @transform_3(%arg0: i32) -> (i32, i32) {
    %c0_i32 = arith.constant 0 : i32
    %c0_i32_0 = arith.constant 0 : i32
    return %arg0, %c0_i32 : i32, i32
  }
}

module attributes {stable_mosaic.version = 14 : i64} {
  func.func @_comb_body(%arg0: i32, %arg1: memref<4096x128xf32, #tpu.memory_space<vmem>>, %arg2: memref<4096x128xf32, #tpu.memory_space<vmem>>, %arg3: memref<4096x128xf32, #tpu.memory_space<vmem>>, %arg4: memref<4096x128xf32, #tpu.memory_space<vmem>>, %arg5: memref<4x32x64xf32, #tpu.memory_space<vmem>>, %arg6: memref<1x64xf32, #tpu.memory_space<vmem>>, %arg7: memref<1024x256xf32, #tpu.memory_space<vmem>>) attributes {dimension_semantics = [#tpu.dimension_semantics<arbitrary>], iteration_bounds = array<i64: 4>, scalar_prefetch = 0 : i64, scratch_operands = 0 : i64, tpu.core_type = #tpu.core_type<tc>, window_params = [{transform_indices = @transform_0, window_bounds = array<i64: 4096, 128>}, {transform_indices = @transform_1, window_bounds = array<i64: 4096, 128>}, {transform_indices = @transform_2, window_bounds = array<i64: 4096, 128>}, {transform_indices = @transform_3, window_bounds = array<i64: 4096, 128>}, {pipeline_mode = #tpu.pipeline_mode<synchronous>, transform_indices = @transform_4, window_bounds = array<i64: 4, 32, 64>}, {pipeline_mode = #tpu.pipeline_mode<synchronous>, transform_indices = @transform_5, window_bounds = array<i64: 1, 64>}, {transform_indices = @transform_6, window_bounds = array<i64: 1024, 256>}]} {
    %get3A = arith.constant 0 : index
    %get3A_0 = arith.constant 0 : index
    %get3A_1 = arith.constant 0 : index
    %get3A_2 = vector.load %arg5[%get3A, %get3A_0, %get3A_1] : memref<4x32x64xf32, #tpu.memory_space<vmem>>, vector<4x32x64xf32>
    %get3A_3 = arith.constant 0 : index
    %get3A_4 = arith.constant 0 : index
    %get3A_5 = vector.load %arg6[%get3A_3, %get3A_4] : memref<1x64xf32, #tpu.memory_space<vmem>>, vector<1x64xf32>
    %get3A_6 = arith.constant 0 : index
    %get3A_7 = arith.constant 0 : index
    %get3A_8 = vector.load %arg1[%get3A_6, %get3A_7] : memref<4096x128xf32, #tpu.memory_space<vmem>>, vector<4096x32xf32>
    %slice3A = vector.extract_strided_slice %get3A_2 {offsets = [0, 0, 0], sizes = [1, 32, 64], strides = [1, 1, 1]} : vector<4x32x64xf32> to vector<1x32x64xf32>
    %squeeze3A = vector.shape_cast %slice3A : vector<1x32x64xf32> to vector<32x64xf32>
    %dot_general3A = arith.constant dense<0.000000e+00> : vector<4096x64xf32>
    %dot_general3A_9 = tpu.matmul %get3A_8, %squeeze3A, %dot_general3A {dimension_numbers = #tpu.dot_dimension_numbers<[1], [0], [0], [1], [0, 0, 1, 1], [], []>, transpose_lhs_hint = false} : vector<4096x32xf32>, vector<32x64xf32>, vector<4096x64xf32> -> vector<4096x64xf32>
    %get3A_10 = arith.constant 0 : index
    %get3A_11 = arith.constant 0 : index
    %get3A_12 = vector.load %arg2[%get3A_10, %get3A_11] : memref<4096x128xf32, #tpu.memory_space<vmem>>, vector<4096x32xf32>
    %slice3A_13 = vector.extract_strided_slice %get3A_2 {offsets = [1, 0, 0], sizes = [1, 32, 64], strides = [1, 1, 1]} : vector<4x32x64xf32> to vector<1x32x64xf32>
    %squeeze3A_14 = vector.shape_cast %slice3A_13 : vector<1x32x64xf32> to vector<32x64xf32>
    %dot_general3A_15 = arith.constant dense<0.000000e+00> : vector<4096x64xf32>
    %dot_general3A_16 = tpu.matmul %get3A_12, %squeeze3A_14, %dot_general3A_15 {dimension_numbers = #tpu.dot_dimension_numbers<[1], [0], [0], [1], [0, 0, 1, 1], [], []>, transpose_lhs_hint = false} : vector<4096x32xf32>, vector<32x64xf32>, vector<4096x64xf32> -> vector<4096x64xf32>
    %add3A = arith.addf %dot_general3A_9, %dot_general3A_16 : vector<4096x64xf32>
    %get3A_17 = arith.constant 0 : index
    %get3A_18 = arith.constant 0 : index
    %get3A_19 = vector.load %arg3[%get3A_17, %get3A_18] : memref<4096x128xf32, #tpu.memory_space<vmem>>, vector<4096x32xf32>
    %slice3A_20 = vector.extract_strided_slice %get3A_2 {offsets = [2, 0, 0], sizes = [1, 32, 64], strides = [1, 1, 1]} : vector<4x32x64xf32> to vector<1x32x64xf32>
    %squeeze3A_21 = vector.shape_cast %slice3A_20 : vector<1x32x64xf32> to vector<32x64xf32>
    %dot_general3A_22 = arith.constant dense<0.000000e+00> : vector<4096x64xf32>
    %dot_general3A_23 = tpu.matmul %get3A_19, %squeeze3A_21, %dot_general3A_22 {dimension_numbers = #tpu.dot_dimension_numbers<[1], [0], [0], [1], [0, 0, 1, 1], [], []>, transpose_lhs_hint = false} : vector<4096x32xf32>, vector<32x64xf32>, vector<4096x64xf32> -> vector<4096x64xf32>
    %add3A_24 = arith.addf %add3A, %dot_general3A_23 : vector<4096x64xf32>
    %get3A_25 = arith.constant 0 : index
    %get3A_26 = arith.constant 0 : index
    %get3A_27 = vector.load %arg4[%get3A_25, %get3A_26] : memref<4096x128xf32, #tpu.memory_space<vmem>>, vector<4096x32xf32>
    %slice3A_28 = vector.extract_strided_slice %get3A_2 {offsets = [3, 0, 0], sizes = [1, 32, 64], strides = [1, 1, 1]} : vector<4x32x64xf32> to vector<1x32x64xf32>
    %squeeze3A_29 = vector.shape_cast %slice3A_28 : vector<1x32x64xf32> to vector<32x64xf32>
    %dot_general3A_30 = arith.constant dense<0.000000e+00> : vector<4096x64xf32>
    %dot_general3A_31 = tpu.matmul %get3A_27, %squeeze3A_29, %dot_general3A_30 {dimension_numbers = #tpu.dot_dimension_numbers<[1], [0], [0], [1], [0, 0, 1, 1], [], []>, transpose_lhs_hint = false} : vector<4096x32xf32>, vector<32x64xf32>, vector<4096x64xf32> -> vector<4096x64xf32>
    %add3A_32 = arith.addf %add3A_24, %dot_general3A_31 : vector<4096x64xf32>
    %add3A_33 = vector.broadcast %get3A_5 : vector<1x64xf32> to vector<4096x64xf32>
    %add3A_34 = arith.addf %add3A_32, %add3A_33 : vector<4096x64xf32>
    %max3A = arith.constant 0.000000e+00 : f32
    %max3A_35 = vector.broadcast %max3A : f32 to vector<4096x64xf32>
    %max3A_36 = arith.maximumf %add3A_34, %max3A_35 : vector<4096x64xf32>
    %reshape3A = vector.shape_cast %max3A_36 : vector<4096x64xf32> to vector<1024x4x64xf32>
    %reduce_max3A = arith.constant dense<0xFF800000> : vector<1024x64xf32>
    %reduce_max3A_37 = vector.multi_reduction <maximumf>, %reshape3A, %reduce_max3A [1] : vector<1024x4x64xf32> to vector<1024x64xf32>
    %get3A_38 = arith.constant 0 : index
    %get3A_39 = arith.constant 32 : index
    %get3A_40 = vector.load %arg1[%get3A_38, %get3A_39] : memref<4096x128xf32, #tpu.memory_space<vmem>>, vector<4096x32xf32>
    %slice3A_41 = vector.extract_strided_slice %get3A_2 {offsets = [0, 0, 0], sizes = [1, 32, 64], strides = [1, 1, 1]} : vector<4x32x64xf32> to vector<1x32x64xf32>
    %squeeze3A_42 = vector.shape_cast %slice3A_41 : vector<1x32x64xf32> to vector<32x64xf32>
    %dot_general3A_43 = arith.constant dense<0.000000e+00> : vector<4096x64xf32>
    %dot_general3A_44 = tpu.matmul %get3A_40, %squeeze3A_42, %dot_general3A_43 {dimension_numbers = #tpu.dot_dimension_numbers<[1], [0], [0], [1], [0, 0, 1, 1], [], []>, transpose_lhs_hint = false} : vector<4096x32xf32>, vector<32x64xf32>, vector<4096x64xf32> -> vector<4096x64xf32>
    %get3A_45 = arith.constant 0 : index
    %get3A_46 = arith.constant 32 : index
    %get3A_47 = vector.load %arg2[%get3A_45, %get3A_46] : memref<4096x128xf32, #tpu.memory_space<vmem>>, vector<4096x32xf32>
    %slice3A_48 = vector.extract_strided_slice %get3A_2 {offsets = [1, 0, 0], sizes = [1, 32, 64], strides = [1, 1, 1]} : vector<4x32x64xf32> to vector<1x32x64xf32>
    %squeeze3A_49 = vector.shape_cast %slice3A_48 : vector<1x32x64xf32> to vector<32x64xf32>
    %dot_general3A_50 = arith.constant dense<0.000000e+00> : vector<4096x64xf32>
    %dot_general3A_51 = tpu.matmul %get3A_47, %squeeze3A_49, %dot_general3A_50 {dimension_numbers = #tpu.dot_dimension_numbers<[1], [0], [0], [1], [0, 0, 1, 1], [], []>, transpose_lhs_hint = false} : vector<4096x32xf32>, vector<32x64xf32>, vector<4096x64xf32> -> vector<4096x64xf32>
    %add3A_52 = arith.addf %dot_general3A_44, %dot_general3A_51 : vector<4096x64xf32>
    %get3A_53 = arith.constant 0 : index
    %get3A_54 = arith.constant 32 : index
    %get3A_55 = vector.load %arg3[%get3A_53, %get3A_54] : memref<4096x128xf32, #tpu.memory_space<vmem>>, vector<4096x32xf32>
    %slice3A_56 = vector.extract_strided_slice %get3A_2 {offsets = [2, 0, 0], sizes = [1, 32, 64], strides = [1, 1, 1]} : vector<4x32x64xf32> to vector<1x32x64xf32>
    %squeeze3A_57 = vector.shape_cast %slice3A_56 : vector<1x32x64xf32> to vector<32x64xf32>
    %dot_general3A_58 = arith.constant dense<0.000000e+00> : vector<4096x64xf32>
    %dot_general3A_59 = tpu.matmul %get3A_55, %squeeze3A_57, %dot_general3A_58 {dimension_numbers = #tpu.dot_dimension_numbers<[1], [0], [0], [1], [0, 0, 1, 1], [], []>, transpose_lhs_hint = false} : vector<4096x32xf32>, vector<32x64xf32>, vector<4096x64xf32> -> vector<4096x64xf32>
    %add3A_60 = arith.addf %add3A_52, %dot_general3A_59 : vector<4096x64xf32>
    %get3A_61 = arith.constant 0 : index
    %get3A_62 = arith.constant 32 : index
    %get3A_63 = vector.load %arg4[%get3A_61, %get3A_62] : memref<4096x128xf32, #tpu.memory_space<vmem>>, vector<4096x32xf32>
    %slice3A_64 = vector.extract_strided_slice %get3A_2 {offsets = [3, 0, 0], sizes = [1, 32, 64], strides = [1, 1, 1]} : vector<4x32x64xf32> to vector<1x32x64xf32>
    %squeeze3A_65 = vector.shape_cast %slice3A_64 : vector<1x32x64xf32> to vector<32x64xf32>
    %dot_general3A_66 = arith.constant dense<0.000000e+00> : vector<4096x64xf32>
    %dot_general3A_67 = tpu.matmul %get3A_63, %squeeze3A_65, %dot_general3A_66 {dimension_numbers = #tpu.dot_dimension_numbers<[1], [0], [0], [1], [0, 0, 1, 1], [], []>, transpose_lhs_hint = false} : vector<4096x32xf32>, vector<32x64xf32>, vector<4096x64xf32> -> vector<4096x64xf32>
    %add3A_68 = arith.addf %add3A_60, %dot_general3A_67 : vector<4096x64xf32>
    %add3A_69 = vector.broadcast %get3A_5 : vector<1x64xf32> to vector<4096x64xf32>
    %add3A_70 = arith.addf %add3A_68, %add3A_69 : vector<4096x64xf32>
    %max3A_71 = arith.constant 0.000000e+00 : f32
    %max3A_72 = vector.broadcast %max3A_71 : f32 to vector<4096x64xf32>
    %max3A_73 = arith.maximumf %add3A_70, %max3A_72 : vector<4096x64xf32>
    %reshape3A_74 = vector.shape_cast %max3A_73 : vector<4096x64xf32> to vector<1024x4x64xf32>
    %reduce_max3A_75 = arith.constant dense<0xFF800000> : vector<1024x64xf32>
    %reduce_max3A_76 = vector.multi_reduction <maximumf>, %reshape3A_74, %reduce_max3A_75 [1] : vector<1024x4x64xf32> to vector<1024x64xf32>
    %get3A_77 = arith.constant 0 : index
    %get3A_78 = arith.constant 64 : index
    %get3A_79 = vector.load %arg1[%get3A_77, %get3A_78] : memref<4096x128xf32, #tpu.memory_space<vmem>>, vector<4096x32xf32>
    %slice3A_80 = vector.extract_strided_slice %get3A_2 {offsets = [0, 0, 0], sizes = [1, 32, 64], strides = [1, 1, 1]} : vector<4x32x64xf32> to vector<1x32x64xf32>
    %squeeze3A_81 = vector.shape_cast %slice3A_80 : vector<1x32x64xf32> to vector<32x64xf32>
    %dot_general3A_82 = arith.constant dense<0.000000e+00> : vector<4096x64xf32>
    %dot_general3A_83 = tpu.matmul %get3A_79, %squeeze3A_81, %dot_general3A_82 {dimension_numbers = #tpu.dot_dimension_numbers<[1], [0], [0], [1], [0, 0, 1, 1], [], []>, transpose_lhs_hint = false} : vector<4096x32xf32>, vector<32x64xf32>, vector<4096x64xf32> -> vector<4096x64xf32>
    %get3A_84 = arith.constant 0 : index
    %get3A_85 = arith.constant 64 : index
    %get3A_86 = vector.load %arg2[%get3A_84, %get3A_85] : memref<4096x128xf32, #tpu.memory_space<vmem>>, vector<4096x32xf32>
    %slice3A_87 = vector.extract_strided_slice %get3A_2 {offsets = [1, 0, 0], sizes = [1, 32, 64], strides = [1, 1, 1]} : vector<4x32x64xf32> to vector<1x32x64xf32>
    %squeeze3A_88 = vector.shape_cast %slice3A_87 : vector<1x32x64xf32> to vector<32x64xf32>
    %dot_general3A_89 = arith.constant dense<0.000000e+00> : vector<4096x64xf32>
    %dot_general3A_90 = tpu.matmul %get3A_86, %squeeze3A_88, %dot_general3A_89 {dimension_numbers = #tpu.dot_dimension_numbers<[1], [0], [0], [1], [0, 0, 1, 1], [], []>, transpose_lhs_hint = false} : vector<4096x32xf32>, vector<32x64xf32>, vector<4096x64xf32> -> vector<4096x64xf32>
    %add3A_91 = arith.addf %dot_general3A_83, %dot_general3A_90 : vector<4096x64xf32>
    %get3A_92 = arith.constant 0 : index
    %get3A_93 = arith.constant 64 : index
    %get3A_94 = vector.load %arg3[%get3A_92, %get3A_93] : memref<4096x128xf32, #tpu.memory_space<vmem>>, vector<4096x32xf32>
    %slice3A_95 = vector.extract_strided_slice %get3A_2 {offsets = [2, 0, 0], sizes = [1, 32, 64], strides = [1, 1, 1]} : vector<4x32x64xf32> to vector<1x32x64xf32>
    %squeeze3A_96 = vector.shape_cast %slice3A_95 : vector<1x32x64xf32> to vector<32x64xf32>
    %dot_general3A_97 = arith.constant dense<0.000000e+00> : vector<4096x64xf32>
    %dot_general3A_98 = tpu.matmul %get3A_94, %squeeze3A_96, %dot_general3A_97 {dimension_numbers = #tpu.dot_dimension_numbers<[1], [0], [0], [1], [0, 0, 1, 1], [], []>, transpose_lhs_hint = false} : vector<4096x32xf32>, vector<32x64xf32>, vector<4096x64xf32> -> vector<4096x64xf32>
    %add3A_99 = arith.addf %add3A_91, %dot_general3A_98 : vector<4096x64xf32>
    %get3A_100 = arith.constant 0 : index
    %get3A_101 = arith.constant 64 : index
    %get3A_102 = vector.load %arg4[%get3A_100, %get3A_101] : memref<4096x128xf32, #tpu.memory_space<vmem>>, vector<4096x32xf32>
    %slice3A_103 = vector.extract_strided_slice %get3A_2 {offsets = [3, 0, 0], sizes = [1, 32, 64], strides = [1, 1, 1]} : vector<4x32x64xf32> to vector<1x32x64xf32>
    %squeeze3A_104 = vector.shape_cast %slice3A_103 : vector<1x32x64xf32> to vector<32x64xf32>
    %dot_general3A_105 = arith.constant dense<0.000000e+00> : vector<4096x64xf32>
    %dot_general3A_106 = tpu.matmul %get3A_102, %squeeze3A_104, %dot_general3A_105 {dimension_numbers = #tpu.dot_dimension_numbers<[1], [0], [0], [1], [0, 0, 1, 1], [], []>, transpose_lhs_hint = false} : vector<4096x32xf32>, vector<32x64xf32>, vector<4096x64xf32> -> vector<4096x64xf32>
    %add3A_107 = arith.addf %add3A_99, %dot_general3A_106 : vector<4096x64xf32>
    %add3A_108 = vector.broadcast %get3A_5 : vector<1x64xf32> to vector<4096x64xf32>
    %add3A_109 = arith.addf %add3A_107, %add3A_108 : vector<4096x64xf32>
    %max3A_110 = arith.constant 0.000000e+00 : f32
    %max3A_111 = vector.broadcast %max3A_110 : f32 to vector<4096x64xf32>
    %max3A_112 = arith.maximumf %add3A_109, %max3A_111 : vector<4096x64xf32>
    %reshape3A_113 = vector.shape_cast %max3A_112 : vector<4096x64xf32> to vector<1024x4x64xf32>
    %reduce_max3A_114 = arith.constant dense<0xFF800000> : vector<1024x64xf32>
    %reduce_max3A_115 = vector.multi_reduction <maximumf>, %reshape3A_113, %reduce_max3A_114 [1] : vector<1024x4x64xf32> to vector<1024x64xf32>
    %get3A_116 = arith.constant 0 : index
    %get3A_117 = arith.constant 96 : index
    %get3A_118 = vector.load %arg1[%get3A_116, %get3A_117] : memref<4096x128xf32, #tpu.memory_space<vmem>>, vector<4096x32xf32>
    %slice3A_119 = vector.extract_strided_slice %get3A_2 {offsets = [0, 0, 0], sizes = [1, 32, 64], strides = [1, 1, 1]} : vector<4x32x64xf32> to vector<1x32x64xf32>
    %squeeze3A_120 = vector.shape_cast %slice3A_119 : vector<1x32x64xf32> to vector<32x64xf32>
    %dot_general3A_121 = arith.constant dense<0.000000e+00> : vector<4096x64xf32>
    %dot_general3A_122 = tpu.matmul %get3A_118, %squeeze3A_120, %dot_general3A_121 {dimension_numbers = #tpu.dot_dimension_numbers<[1], [0], [0], [1], [0, 0, 1, 1], [], []>, transpose_lhs_hint = false} : vector<4096x32xf32>, vector<32x64xf32>, vector<4096x64xf32> -> vector<4096x64xf32>
    %get3A_123 = arith.constant 0 : index
    %get3A_124 = arith.constant 96 : index
    %get3A_125 = vector.load %arg2[%get3A_123, %get3A_124] : memref<4096x128xf32, #tpu.memory_space<vmem>>, vector<4096x32xf32>
    %slice3A_126 = vector.extract_strided_slice %get3A_2 {offsets = [1, 0, 0], sizes = [1, 32, 64], strides = [1, 1, 1]} : vector<4x32x64xf32> to vector<1x32x64xf32>
    %squeeze3A_127 = vector.shape_cast %slice3A_126 : vector<1x32x64xf32> to vector<32x64xf32>
    %dot_general3A_128 = arith.constant dense<0.000000e+00> : vector<4096x64xf32>
    %dot_general3A_129 = tpu.matmul %get3A_125, %squeeze3A_127, %dot_general3A_128 {dimension_numbers = #tpu.dot_dimension_numbers<[1], [0], [0], [1], [0, 0, 1, 1], [], []>, transpose_lhs_hint = false} : vector<4096x32xf32>, vector<32x64xf32>, vector<4096x64xf32> -> vector<4096x64xf32>
    %add3A_130 = arith.addf %dot_general3A_122, %dot_general3A_129 : vector<4096x64xf32>
    %get3A_131 = arith.constant 0 : index
    %get3A_132 = arith.constant 96 : index
    %get3A_133 = vector.load %arg3[%get3A_131, %get3A_132] : memref<4096x128xf32, #tpu.memory_space<vmem>>, vector<4096x32xf32>
    %slice3A_134 = vector.extract_strided_slice %get3A_2 {offsets = [2, 0, 0], sizes = [1, 32, 64], strides = [1, 1, 1]} : vector<4x32x64xf32> to vector<1x32x64xf32>
    %squeeze3A_135 = vector.shape_cast %slice3A_134 : vector<1x32x64xf32> to vector<32x64xf32>
    %dot_general3A_136 = arith.constant dense<0.000000e+00> : vector<4096x64xf32>
    %dot_general3A_137 = tpu.matmul %get3A_133, %squeeze3A_135, %dot_general3A_136 {dimension_numbers = #tpu.dot_dimension_numbers<[1], [0], [0], [1], [0, 0, 1, 1], [], []>, transpose_lhs_hint = false} : vector<4096x32xf32>, vector<32x64xf32>, vector<4096x64xf32> -> vector<4096x64xf32>
    %add3A_138 = arith.addf %add3A_130, %dot_general3A_137 : vector<4096x64xf32>
    %get3A_139 = arith.constant 0 : index
    %get3A_140 = arith.constant 96 : index
    %get3A_141 = vector.load %arg4[%get3A_139, %get3A_140] : memref<4096x128xf32, #tpu.memory_space<vmem>>, vector<4096x32xf32>
    %slice3A_142 = vector.extract_strided_slice %get3A_2 {offsets = [3, 0, 0], sizes = [1, 32, 64], strides = [1, 1, 1]} : vector<4x32x64xf32> to vector<1x32x64xf32>
    %squeeze3A_143 = vector.shape_cast %slice3A_142 : vector<1x32x64xf32> to vector<32x64xf32>
    %dot_general3A_144 = arith.constant dense<0.000000e+00> : vector<4096x64xf32>
    %dot_general3A_145 = tpu.matmul %get3A_141, %squeeze3A_143, %dot_general3A_144 {dimension_numbers = #tpu.dot_dimension_numbers<[1], [0], [0], [1], [0, 0, 1, 1], [], []>, transpose_lhs_hint = false} : vector<4096x32xf32>, vector<32x64xf32>, vector<4096x64xf32> -> vector<4096x64xf32>
    %add3A_146 = arith.addf %add3A_138, %dot_general3A_145 : vector<4096x64xf32>
    %add3A_147 = vector.broadcast %get3A_5 : vector<1x64xf32> to vector<4096x64xf32>
    %add3A_148 = arith.addf %add3A_146, %add3A_147 : vector<4096x64xf32>
    %max3A_149 = arith.constant 0.000000e+00 : f32
    %max3A_150 = vector.broadcast %max3A_149 : f32 to vector<4096x64xf32>
    %max3A_151 = arith.maximumf %add3A_148, %max3A_150 : vector<4096x64xf32>
    %reshape3A_152 = vector.shape_cast %max3A_151 : vector<4096x64xf32> to vector<1024x4x64xf32>
    %reduce_max3A_153 = arith.constant dense<0xFF800000> : vector<1024x64xf32>
    %reduce_max3A_154 = vector.multi_reduction <maximumf>, %reshape3A_152, %reduce_max3A_153 [1] : vector<1024x4x64xf32> to vector<1024x64xf32>
    %concatenate3A = tpu.concatenate %reduce_max3A_37, %reduce_max3A_76, %reduce_max3A_115, %reduce_max3A_154 in 1 : vector<1024x64xf32>, vector<1024x64xf32>, vector<1024x64xf32>, vector<1024x64xf32> -> vector<1024x256xf32>
    %swap3A = arith.constant 0 : index
    %swap3A_155 = arith.constant 0 : index
    %swap3A_156 = vector.load %arg7[%swap3A, %swap3A_155] : memref<1024x256xf32, #tpu.memory_space<vmem>>, vector<1024x256xf32>
    tpu.vector_store %arg7[%swap3A, %swap3A_155], %concatenate3A {strides = array<i32>} : memref<1024x256xf32, #tpu.memory_space<vmem>>, vector<1024x256xf32>,
    return
  }
  func.func @transform_0(%arg0: i32) -> (i32, i32) {
    %c0_i32 = arith.constant 0 : i32
    %c0_i32_0 = arith.constant 0 : i32
    return %c0_i32, %arg0 : i32, i32
  }
  func.func @transform_1(%arg0: i32) -> (i32, i32) {
    %c0_i32 = arith.constant 0 : i32
    %c0_i32_0 = arith.constant 0 : i32
    return %c0_i32, %arg0 : i32, i32
  }
  func.func @transform_2(%arg0: i32) -> (i32, i32) {
    %c0_i32 = arith.constant 0 : i32
    %c0_i32_0 = arith.constant 0 : i32
    return %c0_i32, %arg0 : i32, i32
  }
  func.func @transform_3(%arg0: i32) -> (i32, i32) {
    %c0_i32 = arith.constant 0 : i32
    %c0_i32_0 = arith.constant 0 : i32
    return %c0_i32, %arg0 : i32, i32
  }
  func.func @transform_4(%arg0: i32) -> (i32, i32, i32) {
    %c0_i32 = arith.constant 0 : i32
    %c0_i32_0 = arith.constant 0 : i32
    %c0_i32_1 = arith.constant 0 : i32
    %c0_i32_2 = arith.constant 0 : i32
    return %c0_i32, %c0_i32_0, %c0_i32_1 : i32, i32, i32
  }
  func.func @transform_5(%arg0: i32) -> (i32, i32) {
    %c0_i32 = arith.constant 0 : i32
    %c0_i32_0 = arith.constant 0 : i32
    %c0_i32_1 = arith.constant 0 : i32
    return %c0_i32, %c0_i32_0 : i32, i32
  }
  func.func @transform_6(%arg0: i32) -> (i32, i32) {
    %c0_i32 = arith.constant 0 : i32
    %c0_i32_0 = arith.constant 0 : i32
    return %c0_i32, %arg0 : i32, i32
  }
}

module attributes {stable_mosaic.version = 14 : i64} {
  func.func @_cheb_body(%arg0: i32, %arg1: memref<512x1024xf32, #tpu.memory_space<vmem>>, %arg2: memref<1024x1024xf32, #tpu.memory_space<vmem>>, %arg3: memref<512x1024xf32, #tpu.memory_space<vmem>>, %arg4: memref<512x1024xf32, #tpu.memory_space<vmem>>) attributes {dimension_semantics = [#tpu.dimension_semantics<arbitrary>], iteration_bounds = array<i64: 2>, scalar_prefetch = 0 : i64, scratch_operands = 0 : i64, tpu.core_type = #tpu.core_type<tc>, window_params = [{transform_indices = @transform_0, window_bounds = array<i64: 512, 1024>}, {pipeline_mode = #tpu.pipeline_mode<synchronous>, transform_indices = @transform_1, window_bounds = array<i64: 1024, 1024>}, {transform_indices = @transform_2, window_bounds = array<i64: 512, 1024>}, {transform_indices = @transform_3, window_bounds = array<i64: 512, 1024>}]} {
    %get3A = arith.constant 0 : index
    %get3A_0 = arith.constant 0 : index
    %get3A_1 = vector.load %arg1[%get3A, %get3A_0] : memref<512x1024xf32, #tpu.memory_space<vmem>>, vector<512x1024xf32>
    %get3A_2 = arith.constant 0 : index
    %get3A_3 = arith.constant 0 : index
    %get3A_4 = vector.load %arg2[%get3A_2, %get3A_3] : memref<1024x1024xf32, #tpu.memory_space<vmem>>, vector<1024x1024xf32>
    %dot_general3A = arith.constant dense<0.000000e+00> : vector<512x1024xf32>
    %dot_general3A_5 = tpu.matmul %get3A_1, %get3A_4, %dot_general3A {dimension_numbers = #tpu.dot_dimension_numbers<[1], [0], [0], [1], [0, 0, 1, 1], [], []>, transpose_lhs_hint = false} : vector<512x1024xf32>, vector<1024x1024xf32>, vector<512x1024xf32> -> vector<512x1024xf32>
    %mul3A = arith.constant 1.000000e+00 : f32
    %mul3A_6 = vector.broadcast %mul3A : f32 to vector<512x1024xf32>
    %mul3A_7 = arith.mulf %mul3A_6, %dot_general3A_5 : vector<512x1024xf32>
    %get3A_8 = arith.constant 0 : index
    %get3A_9 = arith.constant 0 : index
    %get3A_10 = vector.load %arg3[%get3A_8, %get3A_9] : memref<512x1024xf32, #tpu.memory_space<vmem>>, vector<512x1024xf32>
    %mul3A_11 = arith.constant 0.000000e+00 : f32
    %mul3A_12 = vector.broadcast %mul3A_11 : f32 to vector<512x1024xf32>
    %mul3A_13 = arith.mulf %mul3A_12, %get3A_10 : vector<512x1024xf32>
    %add3A = arith.addf %mul3A_7, %mul3A_13 : vector<512x1024xf32>
    %swap3A = arith.constant 0 : index
    %swap3A_14 = arith.constant 0 : index
    %swap3A_15 = vector.load %arg4[%swap3A, %swap3A_14] : memref<512x1024xf32, #tpu.memory_space<vmem>>, vector<512x1024xf32>
    tpu.vector_store %arg4[%swap3A, %swap3A_14], %add3A {strides = array<i32>} : memref<512x1024xf32, #tpu.memory_space<vmem>>, vector<512x1024xf32>,
    return
  }
  func.func @transform_0(%arg0: i32) -> (i32, i32) {
    %c0_i32 = arith.constant 0 : i32
    %c0_i32_0 = arith.constant 0 : i32
    return %arg0, %c0_i32 : i32, i32
  }
  func.func @transform_1(%arg0: i32) -> (i32, i32) {
    %c0_i32 = arith.constant 0 : i32
    %c0_i32_0 = arith.constant 0 : i32
    %c0_i32_1 = arith.constant 0 : i32
    return %c0_i32, %c0_i32_0 : i32, i32
  }
  func.func @transform_2(%arg0: i32) -> (i32, i32) {
    %c0_i32 = arith.constant 0 : i32
    %c0_i32_0 = arith.constant 0 : i32
    return %arg0, %c0_i32 : i32, i32
  }
  func.func @transform_3(%arg0: i32) -> (i32, i32) {
    %c0_i32 = arith.constant 0 : i32
    %c0_i32_0 = arith.constant 0 : i32
    return %arg0, %c0_i32 : i32, i32
  }
}

module attributes {stable_mosaic.version = 14 : i64} {
  func.func @_cheb_body(%arg0: i32, %arg1: memref<512x1024xf32, #tpu.memory_space<vmem>>, %arg2: memref<1024x1024xf32, #tpu.memory_space<vmem>>, %arg3: memref<512x1024xf32, #tpu.memory_space<vmem>>, %arg4: memref<512x1024xf32, #tpu.memory_space<vmem>>) attributes {dimension_semantics = [#tpu.dimension_semantics<arbitrary>], iteration_bounds = array<i64: 2>, scalar_prefetch = 0 : i64, scratch_operands = 0 : i64, tpu.core_type = #tpu.core_type<tc>, window_params = [{transform_indices = @transform_0, window_bounds = array<i64: 512, 1024>}, {pipeline_mode = #tpu.pipeline_mode<synchronous>, transform_indices = @transform_1, window_bounds = array<i64: 1024, 1024>}, {transform_indices = @transform_2, window_bounds = array<i64: 512, 1024>}, {transform_indices = @transform_3, window_bounds = array<i64: 512, 1024>}]} {
    %get3A = arith.constant 0 : index
    %get3A_0 = arith.constant 0 : index
    %get3A_1 = vector.load %arg1[%get3A, %get3A_0] : memref<512x1024xf32, #tpu.memory_space<vmem>>, vector<512x1024xf32>
    %get3A_2 = arith.constant 0 : index
    %get3A_3 = arith.constant 0 : index
    %get3A_4 = vector.load %arg2[%get3A_2, %get3A_3] : memref<1024x1024xf32, #tpu.memory_space<vmem>>, vector<1024x1024xf32>
    %dot_general3A = arith.constant dense<0.000000e+00> : vector<512x1024xf32>
    %dot_general3A_5 = tpu.matmul %get3A_1, %get3A_4, %dot_general3A {dimension_numbers = #tpu.dot_dimension_numbers<[1], [0], [0], [1], [0, 0, 1, 1], [], []>, transpose_lhs_hint = false} : vector<512x1024xf32>, vector<1024x1024xf32>, vector<512x1024xf32> -> vector<512x1024xf32>
    %mul3A = arith.constant 2.000000e+00 : f32
    %mul3A_6 = vector.broadcast %mul3A : f32 to vector<512x1024xf32>
    %mul3A_7 = arith.mulf %mul3A_6, %dot_general3A_5 : vector<512x1024xf32>
    %get3A_8 = arith.constant 0 : index
    %get3A_9 = arith.constant 0 : index
    %get3A_10 = vector.load %arg3[%get3A_8, %get3A_9] : memref<512x1024xf32, #tpu.memory_space<vmem>>, vector<512x1024xf32>
    %mul3A_11 = arith.constant -1.000000e+00 : f32
    %mul3A_12 = vector.broadcast %mul3A_11 : f32 to vector<512x1024xf32>
    %mul3A_13 = arith.mulf %mul3A_12, %get3A_10 : vector<512x1024xf32>
    %add3A = arith.addf %mul3A_7, %mul3A_13 : vector<512x1024xf32>
    %swap3A = arith.constant 0 : index
    %swap3A_14 = arith.constant 0 : index
    %swap3A_15 = vector.load %arg4[%swap3A, %swap3A_14] : memref<512x1024xf32, #tpu.memory_space<vmem>>, vector<512x1024xf32>
    tpu.vector_store %arg4[%swap3A, %swap3A_14], %add3A {strides = array<i32>} : memref<512x1024xf32, #tpu.memory_space<vmem>>, vector<512x1024xf32>,
    return
  }
  func.func @transform_0(%arg0: i32) -> (i32, i32) {
    %c0_i32 = arith.constant 0 : i32
    %c0_i32_0 = arith.constant 0 : i32
    return %arg0, %c0_i32 : i32, i32
  }
  func.func @transform_1(%arg0: i32) -> (i32, i32) {
    %c0_i32 = arith.constant 0 : i32
    %c0_i32_0 = arith.constant 0 : i32
    %c0_i32_1 = arith.constant 0 : i32
    return %c0_i32, %c0_i32_0 : i32, i32
  }
  func.func @transform_2(%arg0: i32) -> (i32, i32) {
    %c0_i32 = arith.constant 0 : i32
    %c0_i32_0 = arith.constant 0 : i32
    return %arg0, %c0_i32 : i32, i32
  }
  func.func @transform_3(%arg0: i32) -> (i32, i32) {
    %c0_i32 = arith.constant 0 : i32
    %c0_i32_0 = arith.constant 0 : i32
    return %arg0, %c0_i32 : i32, i32
  }
}

module attributes {stable_mosaic.version = 14 : i64} {
  func.func @_comb2_body(%arg0: i32, %arg1: memref<1024x128xf32, #tpu.memory_space<vmem>>, %arg2: memref<1024x128xf32, #tpu.memory_space<vmem>>, %arg3: memref<1024x128xf32, #tpu.memory_space<vmem>>, %arg4: memref<1024x128xf32, #tpu.memory_space<vmem>>, %arg5: memref<4x64x128xf32, #tpu.memory_space<vmem>>, %arg6: memref<1x128xf32, #tpu.memory_space<vmem>>, %arg7: memref<2x128x256xf32, #tpu.memory_space<vmem>>) attributes {dimension_semantics = [#tpu.dimension_semantics<arbitrary>], iteration_bounds = array<i64: 8>, scalar_prefetch = 0 : i64, scratch_operands = 0 : i64, tpu.core_type = #tpu.core_type<tc>, window_params = [{transform_indices = @transform_0, window_bounds = array<i64: 1024, 128>}, {transform_indices = @transform_1, window_bounds = array<i64: 1024, 128>}, {transform_indices = @transform_2, window_bounds = array<i64: 1024, 128>}, {transform_indices = @transform_3, window_bounds = array<i64: 1024, 128>}, {pipeline_mode = #tpu.pipeline_mode<synchronous>, transform_indices = @transform_4, window_bounds = array<i64: 4, 64, 128>}, {pipeline_mode = #tpu.pipeline_mode<synchronous>, transform_indices = @transform_5, window_bounds = array<i64: 1, 128>}, {transform_indices = @transform_6, window_bounds = array<i64: 2, 128, 256>}]} {
    %get3A = arith.constant 0 : index
    %get3A_0 = arith.constant 0 : index
    %get3A_1 = arith.constant 0 : index
    %get3A_2 = vector.load %arg5[%get3A, %get3A_0, %get3A_1] : memref<4x64x128xf32, #tpu.memory_space<vmem>>, vector<4x64x128xf32>
    %get3A_3 = arith.constant 0 : index
    %get3A_4 = arith.constant 0 : index
    %get3A_5 = vector.load %arg6[%get3A_3, %get3A_4] : memref<1x128xf32, #tpu.memory_space<vmem>>, vector<1x128xf32>
    %get3A_6 = arith.constant 0 : index
    %get3A_7 = arith.constant 0 : index
    %get3A_8 = vector.load %arg1[%get3A_6, %get3A_7] : memref<1024x128xf32, #tpu.memory_space<vmem>>, vector<1024x64xf32>
    %slice3A = vector.extract_strided_slice %get3A_2 {offsets = [0, 0, 0], sizes = [1, 64, 128], strides = [1, 1, 1]} : vector<4x64x128xf32> to vector<1x64x128xf32>
    %squeeze3A = vector.shape_cast %slice3A : vector<1x64x128xf32> to vector<64x128xf32>
    %dot_general3A = arith.constant dense<0.000000e+00> : vector<1024x128xf32>
    %dot_general3A_9 = tpu.matmul %get3A_8, %squeeze3A, %dot_general3A {dimension_numbers = #tpu.dot_dimension_numbers<[1], [0], [0], [1], [0, 0, 1, 1], [], []>, transpose_lhs_hint = false} : vector<1024x64xf32>, vector<64x128xf32>, vector<1024x128xf32> -> vector<1024x128xf32>
    %get3A_10 = arith.constant 0 : index
    %get3A_11 = arith.constant 0 : index
    %get3A_12 = vector.load %arg2[%get3A_10, %get3A_11] : memref<1024x128xf32, #tpu.memory_space<vmem>>, vector<1024x64xf32>
    %slice3A_13 = vector.extract_strided_slice %get3A_2 {offsets = [1, 0, 0], sizes = [1, 64, 128], strides = [1, 1, 1]} : vector<4x64x128xf32> to vector<1x64x128xf32>
    %squeeze3A_14 = vector.shape_cast %slice3A_13 : vector<1x64x128xf32> to vector<64x128xf32>
    %dot_general3A_15 = arith.constant dense<0.000000e+00> : vector<1024x128xf32>
    %dot_general3A_16 = tpu.matmul %get3A_12, %squeeze3A_14, %dot_general3A_15 {dimension_numbers = #tpu.dot_dimension_numbers<[1], [0], [0], [1], [0, 0, 1, 1], [], []>, transpose_lhs_hint = false} : vector<1024x64xf32>, vector<64x128xf32>, vector<1024x128xf32> -> vector<1024x128xf32>
    %add3A = arith.addf %dot_general3A_9, %dot_general3A_16 : vector<1024x128xf32>
    %get3A_17 = arith.constant 0 : index
    %get3A_18 = arith.constant 0 : index
    %get3A_19 = vector.load %arg3[%get3A_17, %get3A_18] : memref<1024x128xf32, #tpu.memory_space<vmem>>, vector<1024x64xf32>
    %slice3A_20 = vector.extract_strided_slice %get3A_2 {offsets = [2, 0, 0], sizes = [1, 64, 128], strides = [1, 1, 1]} : vector<4x64x128xf32> to vector<1x64x128xf32>
    %squeeze3A_21 = vector.shape_cast %slice3A_20 : vector<1x64x128xf32> to vector<64x128xf32>
    %dot_general3A_22 = arith.constant dense<0.000000e+00> : vector<1024x128xf32>
    %dot_general3A_23 = tpu.matmul %get3A_19, %squeeze3A_21, %dot_general3A_22 {dimension_numbers = #tpu.dot_dimension_numbers<[1], [0], [0], [1], [0, 0, 1, 1], [], []>, transpose_lhs_hint = false} : vector<1024x64xf32>, vector<64x128xf32>, vector<1024x128xf32> -> vector<1024x128xf32>
    %add3A_24 = arith.addf %add3A, %dot_general3A_23 : vector<1024x128xf32>
    %get3A_25 = arith.constant 0 : index
    %get3A_26 = arith.constant 0 : index
    %get3A_27 = vector.load %arg4[%get3A_25, %get3A_26] : memref<1024x128xf32, #tpu.memory_space<vmem>>, vector<1024x64xf32>
    %slice3A_28 = vector.extract_strided_slice %get3A_2 {offsets = [3, 0, 0], sizes = [1, 64, 128], strides = [1, 1, 1]} : vector<4x64x128xf32> to vector<1x64x128xf32>
    %squeeze3A_29 = vector.shape_cast %slice3A_28 : vector<1x64x128xf32> to vector<64x128xf32>
    %dot_general3A_30 = arith.constant dense<0.000000e+00> : vector<1024x128xf32>
    %dot_general3A_31 = tpu.matmul %get3A_27, %squeeze3A_29, %dot_general3A_30 {dimension_numbers = #tpu.dot_dimension_numbers<[1], [0], [0], [1], [0, 0, 1, 1], [], []>, transpose_lhs_hint = false} : vector<1024x64xf32>, vector<64x128xf32>, vector<1024x128xf32> -> vector<1024x128xf32>
    %add3A_32 = arith.addf %add3A_24, %dot_general3A_31 : vector<1024x128xf32>
    %add3A_33 = vector.broadcast %get3A_5 : vector<1x128xf32> to vector<1024x128xf32>
    %add3A_34 = arith.addf %add3A_32, %add3A_33 : vector<1024x128xf32>
    %max3A = arith.constant 0.000000e+00 : f32
    %max3A_35 = vector.broadcast %max3A : f32 to vector<1024x128xf32>
    %max3A_36 = arith.maximumf %add3A_34, %max3A_35 : vector<1024x128xf32>
    %reshape3A = vector.shape_cast %max3A_36 : vector<1024x128xf32> to vector<256x4x128xf32>
    %reduce_max3A = arith.constant dense<0xFF800000> : vector<256x128xf32>
    %reduce_max3A_37 = vector.multi_reduction <maximumf>, %reshape3A, %reduce_max3A [1] : vector<256x4x128xf32> to vector<256x128xf32>
    %transpose3A = tpu.transpose %reduce_max3A_37, [1, 0] : vector<256x128xf32> -> vector<128x256xf32>
    %swap3A = arith.constant 0 : index
    %swap3A_38 = arith.constant 0 : index
    %swap3A_39 = arith.constant 0 : index
    %swap3A_40 = vector.load %arg7[%swap3A, %swap3A_38, %swap3A_39] : memref<2x128x256xf32, #tpu.memory_space<vmem>>, vector<1x128x256xf32>
    %swap3A_41 = vector.shape_cast %swap3A_40 : vector<1x128x256xf32> to vector<128x256xf32>
    %swap3A_42 = vector.shape_cast %transpose3A : vector<128x256xf32> to vector<1x128x256xf32>
    tpu.vector_store %arg7[%swap3A, %swap3A_38, %swap3A_39], %swap3A_42 {strides = array<i32>} : memref<2x128x256xf32, #tpu.memory_space<vmem>>, vector<1x128x256xf32>,
    %get3A_43 = arith.constant 0 : index
    %get3A_44 = arith.constant 64 : index
    %get3A_45 = vector.load %arg1[%get3A_43, %get3A_44] : memref<1024x128xf32, #tpu.memory_space<vmem>>, vector<1024x64xf32>
    %slice3A_46 = vector.extract_strided_slice %get3A_2 {offsets = [0, 0, 0], sizes = [1, 64, 128], strides = [1, 1, 1]} : vector<4x64x128xf32> to vector<1x64x128xf32>
    %squeeze3A_47 = vector.shape_cast %slice3A_46 : vector<1x64x128xf32> to vector<64x128xf32>
    %dot_general3A_48 = arith.constant dense<0.000000e+00> : vector<1024x128xf32>
    %dot_general3A_49 = tpu.matmul %get3A_45, %squeeze3A_47, %dot_general3A_48 {dimension_numbers = #tpu.dot_dimension_numbers<[1], [0], [0], [1], [0, 0, 1, 1], [], []>, transpose_lhs_hint = false} : vector<1024x64xf32>, vector<64x128xf32>, vector<1024x128xf32> -> vector<1024x128xf32>
    %get3A_50 = arith.constant 0 : index
    %get3A_51 = arith.constant 64 : index
    %get3A_52 = vector.load %arg2[%get3A_50, %get3A_51] : memref<1024x128xf32, #tpu.memory_space<vmem>>, vector<1024x64xf32>
    %slice3A_53 = vector.extract_strided_slice %get3A_2 {offsets = [1, 0, 0], sizes = [1, 64, 128], strides = [1, 1, 1]} : vector<4x64x128xf32> to vector<1x64x128xf32>
    %squeeze3A_54 = vector.shape_cast %slice3A_53 : vector<1x64x128xf32> to vector<64x128xf32>
    %dot_general3A_55 = arith.constant dense<0.000000e+00> : vector<1024x128xf32>
    %dot_general3A_56 = tpu.matmul %get3A_52, %squeeze3A_54, %dot_general3A_55 {dimension_numbers = #tpu.dot_dimension_numbers<[1], [0], [0], [1], [0, 0, 1, 1], [], []>, transpose_lhs_hint = false} : vector<1024x64xf32>, vector<64x128xf32>, vector<1024x128xf32> -> vector<1024x128xf32>
    %add3A_57 = arith.addf %dot_general3A_49, %dot_general3A_56 : vector<1024x128xf32>
    %get3A_58 = arith.constant 0 : index
    %get3A_59 = arith.constant 64 : index
    %get3A_60 = vector.load %arg3[%get3A_58, %get3A_59] : memref<1024x128xf32, #tpu.memory_space<vmem>>, vector<1024x64xf32>
    %slice3A_61 = vector.extract_strided_slice %get3A_2 {offsets = [2, 0, 0], sizes = [1, 64, 128], strides = [1, 1, 1]} : vector<4x64x128xf32> to vector<1x64x128xf32>
    %squeeze3A_62 = vector.shape_cast %slice3A_61 : vector<1x64x128xf32> to vector<64x128xf32>
    %dot_general3A_63 = arith.constant dense<0.000000e+00> : vector<1024x128xf32>
    %dot_general3A_64 = tpu.matmul %get3A_60, %squeeze3A_62, %dot_general3A_63 {dimension_numbers = #tpu.dot_dimension_numbers<[1], [0], [0], [1], [0, 0, 1, 1], [], []>, transpose_lhs_hint = false} : vector<1024x64xf32>, vector<64x128xf32>, vector<1024x128xf32> -> vector<1024x128xf32>
    %add3A_65 = arith.addf %add3A_57, %dot_general3A_64 : vector<1024x128xf32>
    %get3A_66 = arith.constant 0 : index
    %get3A_67 = arith.constant 64 : index
    %get3A_68 = vector.load %arg4[%get3A_66, %get3A_67] : memref<1024x128xf32, #tpu.memory_space<vmem>>, vector<1024x64xf32>
    %slice3A_69 = vector.extract_strided_slice %get3A_2 {offsets = [3, 0, 0], sizes = [1, 64, 128], strides = [1, 1, 1]} : vector<4x64x128xf32> to vector<1x64x128xf32>
    %squeeze3A_70 = vector.shape_cast %slice3A_69 : vector<1x64x128xf32> to vector<64x128xf32>
    %dot_general3A_71 = arith.constant dense<0.000000e+00> : vector<1024x128xf32>
    %dot_general3A_72 = tpu.matmul %get3A_68, %squeeze3A_70, %dot_general3A_71 {dimension_numbers = #tpu.dot_dimension_numbers<[1], [0], [0], [1], [0, 0, 1, 1], [], []>, transpose_lhs_hint = false} : vector<1024x64xf32>, vector<64x128xf32>, vector<1024x128xf32> -> vector<1024x128xf32>
    %add3A_73 = arith.addf %add3A_65, %dot_general3A_72 : vector<1024x128xf32>
    %add3A_74 = vector.broadcast %get3A_5 : vector<1x128xf32> to vector<1024x128xf32>
    %add3A_75 = arith.addf %add3A_73, %add3A_74 : vector<1024x128xf32>
    %max3A_76 = arith.constant 0.000000e+00 : f32
    %max3A_77 = vector.broadcast %max3A_76 : f32 to vector<1024x128xf32>
    %max3A_78 = arith.maximumf %add3A_75, %max3A_77 : vector<1024x128xf32>
    %reshape3A_79 = vector.shape_cast %max3A_78 : vector<1024x128xf32> to vector<256x4x128xf32>
    %reduce_max3A_80 = arith.constant dense<0xFF800000> : vector<256x128xf32>
    %reduce_max3A_81 = vector.multi_reduction <maximumf>, %reshape3A_79, %reduce_max3A_80 [1] : vector<256x4x128xf32> to vector<256x128xf32>
    %transpose3A_82 = tpu.transpose %reduce_max3A_81, [1, 0] : vector<256x128xf32> -> vector<128x256xf32>
    %swap3A_83 = arith.constant 1 : index
    %swap3A_84 = arith.constant 0 : index
    %swap3A_85 = arith.constant 0 : index
    %swap3A_86 = vector.load %arg7[%swap3A_83, %swap3A_84, %swap3A_85] : memref<2x128x256xf32, #tpu.memory_space<vmem>>, vector<1x128x256xf32>
    %swap3A_87 = vector.shape_cast %swap3A_86 : vector<1x128x256xf32> to vector<128x256xf32>
    %swap3A_88 = vector.shape_cast %transpose3A_82 : vector<128x256xf32> to vector<1x128x256xf32>
    tpu.vector_store %arg7[%swap3A_83, %swap3A_84, %swap3A_85], %swap3A_88 {strides = array<i32>} : memref<2x128x256xf32, #tpu.memory_space<vmem>>, vector<1x128x256xf32>,
    return
  }
  func.func @transform_0(%arg0: i32) -> (i32, i32) {
    %c0_i32 = arith.constant 0 : i32
    %c0_i32_0 = arith.constant 0 : i32
    return %c0_i32, %arg0 : i32, i32
  }
  func.func @transform_1(%arg0: i32) -> (i32, i32) {
    %c0_i32 = arith.constant 0 : i32
    %c0_i32_0 = arith.constant 0 : i32
    return %c0_i32, %arg0 : i32, i32
  }
  func.func @transform_2(%arg0: i32) -> (i32, i32) {
    %c0_i32 = arith.constant 0 : i32
    %c0_i32_0 = arith.constant 0 : i32
    return %c0_i32, %arg0 : i32, i32
  }
  func.func @transform_3(%arg0: i32) -> (i32, i32) {
    %c0_i32 = arith.constant 0 : i32
    %c0_i32_0 = arith.constant 0 : i32
    return %c0_i32, %arg0 : i32, i32
  }
  func.func @transform_4(%arg0: i32) -> (i32, i32, i32) {
    %c0_i32 = arith.constant 0 : i32
    %c0_i32_0 = arith.constant 0 : i32
    %c0_i32_1 = arith.constant 0 : i32
    %c0_i32_2 = arith.constant 0 : i32
    return %c0_i32, %c0_i32_0, %c0_i32_1 : i32, i32, i32
  }
  func.func @transform_5(%arg0: i32) -> (i32, i32) {
    %c0_i32 = arith.constant 0 : i32
    %c0_i32_0 = arith.constant 0 : i32
    %c0_i32_1 = arith.constant 0 : i32
    return %c0_i32, %c0_i32_0 : i32, i32
  }
  func.func @transform_6(%arg0: i32) -> (i32, i32, i32) {
    %c0_i32 = arith.constant 0 : i32
    %c0_i32_0 = arith.constant 0 : i32
    %c0_i32_1 = arith.constant 0 : i32
    return %arg0, %c0_i32, %c0_i32_0 : i32, i32, i32
  }
}

module attributes {stable_mosaic.version = 14 : i64} {
  func.func @_fc_body(%arg0: i32, %arg1: memref<16x4096xf32, #tpu.memory_space<vmem>>, %arg2: memref<512x4096xf32, #tpu.memory_space<vmem>>, %arg3: memref<1x512xf32, #tpu.memory_space<vmem>>, %arg4: memref<10x512xf32, #tpu.memory_space<vmem>>, %arg5: memref<1x10xf32, #tpu.memory_space<vmem>>, %arg6: memref<16x10xf32, #tpu.memory_space<vmem>>, %arg7: memref<16x512xf32, #tpu.memory_space<vmem>>) attributes {dimension_semantics = [#tpu.dimension_semantics<arbitrary>], iteration_bounds = array<i64: 8>, scalar_prefetch = 0 : i64, scratch_operands = 1 : i64, tpu.core_type = #tpu.core_type<tc>, window_params = [{transform_indices = @transform_0, window_bounds = array<i64: 16, 4096>}, {transform_indices = @transform_1, window_bounds = array<i64: 512, 4096>}, {pipeline_mode = #tpu.pipeline_mode<synchronous>, transform_indices = @transform_2, window_bounds = array<i64: 1, 512>}, {pipeline_mode = #tpu.pipeline_mode<synchronous>, transform_indices = @transform_3, window_bounds = array<i64: 10, 512>}, {pipeline_mode = #tpu.pipeline_mode<synchronous>, transform_indices = @transform_4, window_bounds = array<i64: 1, 10>}, {pipeline_mode = #tpu.pipeline_mode<synchronous>, transform_indices = @transform_5, window_bounds = array<i64: 16, 10>}]} {
    %eq3A = arith.constant 0 : i32
    %eq3A_0 = arith.cmpi eq, %arg0, %eq3A : i32
    %convert_element_type3A = arith.extui %eq3A_0 : i1 to i32
    %cond3A = arith.constant 0 : i32
    %cond3A_1 = arith.cmpi ne, %convert_element_type3A, %cond3A : i32
    scf.if %cond3A_1 {
      %broadcast_in_dim3A = arith.constant 0.000000e+00 : f32
      %broadcast_in_dim3A_18 = vector.broadcast %broadcast_in_dim3A : f32 to vector<16x512xf32>
      %swap3A_19 = arith.constant 0 : index
      %swap3A_20 = arith.constant 0 : index
      %swap3A_21 = vector.load %arg7[%swap3A_19, %swap3A_20] : memref<16x512xf32, #tpu.memory_space<vmem>>, vector<16x512xf32>
      tpu.vector_store %arg7[%swap3A_19, %swap3A_20], %broadcast_in_dim3A_18 {strides = array<i32>} : memref<16x512xf32, #tpu.memory_space<vmem>>, vector<16x512xf32>,
    } else {
    }
    %get3A = arith.constant 0 : index
    %get3A_2 = arith.constant 0 : index
    %get3A_3 = vector.load %arg7[%get3A, %get3A_2] : memref<16x512xf32, #tpu.memory_space<vmem>>, vector<16x512xf32>
    %get3A_4 = arith.constant 0 : index
    %get3A_5 = arith.constant 0 : index
    %get3A_6 = vector.load %arg1[%get3A_4, %get3A_5] : memref<16x4096xf32, #tpu.memory_space<vmem>>, vector<16x4096xf32>
    %get3A_7 = arith.constant 0 : index
    %get3A_8 = arith.constant 0 : index
    %get3A_9 = vector.load %arg2[%get3A_7, %get3A_8] : memref<512x4096xf32, #tpu.memory_space<vmem>>, vector<512x4096xf32>
    %dot_general3A = arith.constant dense<0.000000e+00> : vector<16x512xf32>
    %dot_general3A_10 = tpu.matmul %get3A_6, %get3A_9, %dot_general3A {dimension_numbers = #tpu.dot_dimension_numbers<[1], [1], [0], [0], [0, 0, 1, 0], [], []>, transpose_lhs_hint = false} : vector<16x4096xf32>, vector<512x4096xf32>, vector<16x512xf32> -> vector<16x512xf32>
    %add3A = arith.addf %get3A_3, %dot_general3A_10 : vector<16x512xf32>
    %swap3A = arith.constant 0 : index
    %swap3A_11 = arith.constant 0 : index
    %swap3A_12 = vector.load %arg7[%swap3A, %swap3A_11] : memref<16x512xf32, #tpu.memory_space<vmem>>, vector<16x512xf32>
    tpu.vector_store %arg7[%swap3A, %swap3A_11], %add3A {strides = array<i32>} : memref<16x512xf32, #tpu.memory_space<vmem>>, vector<16x512xf32>,
    %eq3A_13 = arith.constant 7 : i32
    %eq3A_14 = arith.cmpi eq, %arg0, %eq3A_13 : i32
    %convert_element_type3A_15 = arith.extui %eq3A_14 : i1 to i32
    %cond3A_16 = arith.constant 0 : i32
    %cond3A_17 = arith.cmpi ne, %convert_element_type3A_15, %cond3A_16 : i32
    scf.if %cond3A_17 {
      %get3A_18 = arith.constant 0 : index
      %get3A_19 = arith.constant 0 : index
      %get3A_20 = vector.load %arg7[%get3A_18, %get3A_19] : memref<16x512xf32, #tpu.memory_space<vmem>>, vector<16x512xf32>
      %get3A_21 = arith.constant 0 : index
      %get3A_22 = arith.constant 0 : index
      %get3A_23 = vector.load %arg3[%get3A_21, %get3A_22] : memref<1x512xf32, #tpu.memory_space<vmem>>, vector<1x512xf32>
      %add3A_24 = vector.broadcast %get3A_23 : vector<1x512xf32> to vector<16x512xf32>
      %add3A_25 = arith.addf %get3A_20, %add3A_24 : vector<16x512xf32>
      %max3A = arith.constant 0.000000e+00 : f32
      %max3A_26 = vector.broadcast %max3A : f32 to vector<16x512xf32>
      %max3A_27 = arith.maximumf %add3A_25, %max3A_26 : vector<16x512xf32>
      %get3A_28 = arith.constant 0 : index
      %get3A_29 = arith.constant 0 : index
      %get3A_30 = vector.load %arg4[%get3A_28, %get3A_29] : memref<10x512xf32, #tpu.memory_space<vmem>>, vector<10x512xf32>
      %dot_general3A_31 = arith.constant dense<0.000000e+00> : vector<16x10xf32>
      %dot_general3A_32 = tpu.matmul %max3A_27, %get3A_30, %dot_general3A_31 {dimension_numbers = #tpu.dot_dimension_numbers<[1], [1], [0], [0], [0, 0, 1, 0], [], []>, transpose_lhs_hint = false} : vector<16x512xf32>, vector<10x512xf32>, vector<16x10xf32> -> vector<16x10xf32>
      %get3A_33 = arith.constant 0 : index
      %get3A_34 = arith.constant 0 : index
      %get3A_35 = vector.load %arg5[%get3A_33, %get3A_34] : memref<1x10xf32, #tpu.memory_space<vmem>>, vector<1x10xf32>
      %add3A_36 = vector.broadcast %get3A_35 : vector<1x10xf32> to vector<16x10xf32>
      %add3A_37 = arith.addf %dot_general3A_32, %add3A_36 : vector<16x10xf32>
      %swap3A_38 = arith.constant 0 : index
      %swap3A_39 = arith.constant 0 : index
      %swap3A_40 = vector.load %arg6[%swap3A_38, %swap3A_39] : memref<16x10xf32, #tpu.memory_space<vmem>>, vector<16x10xf32>
      tpu.vector_store %arg6[%swap3A_38, %swap3A_39], %add3A_37 {strides = array<i32>} : memref<16x10xf32, #tpu.memory_space<vmem>>, vector<16x10xf32>,
    } else {
    }
    return
  }
  func.func @transform_0(%arg0: i32) -> (i32, i32) {
    %c0_i32 = arith.constant 0 : i32
    %c0_i32_0 = arith.constant 0 : i32
    return %c0_i32, %arg0 : i32, i32
  }
  func.func @transform_1(%arg0: i32) -> (i32, i32) {
    %c0_i32 = arith.constant 0 : i32
    %c0_i32_0 = arith.constant 0 : i32
    return %c0_i32, %arg0 : i32, i32
  }
  func.func @transform_2(%arg0: i32) -> (i32, i32) {
    %c0_i32 = arith.constant 0 : i32
    %c0_i32_0 = arith.constant 0 : i32
    %c0_i32_1 = arith.constant 0 : i32
    return %c0_i32, %c0_i32_0 : i32, i32
  }
  func.func @transform_3(%arg0: i32) -> (i32, i32) {
    %c0_i32 = arith.constant 0 : i32
    %c0_i32_0 = arith.constant 0 : i32
    %c0_i32_1 = arith.constant 0 : i32
    return %c0_i32, %c0_i32_0 : i32, i32
  }
  func.func @transform_4(%arg0: i32) -> (i32, i32) {
    %c0_i32 = arith.constant 0 : i32
    %c0_i32_0 = arith.constant 0 : i32
    %c0_i32_1 = arith.constant 0 : i32
    return %c0_i32, %c0_i32_0 : i32, i32
  }
  func.func @transform_5(%arg0: i32) -> (i32, i32) {
    %c0_i32 = arith.constant 0 : i32
    %c0_i32_0 = arith.constant 0 : i32
    %c0_i32_1 = arith.constant 0 : i32
    return %c0_i32, %c0_i32_0 : i32, i32
  }
}

</mosaic_0001>

<sc_bundles>
// kernel: gather_offload_async_start
scs
__scs_entry_jumppad:
0x0: {  	(pc) =	sbr.rel $0x88, $3  }
0x1: {  	(tag) =	ssettag $0x0;
	lr =	simm.s32 $0x1  }
0x2: {  	[smem:$0x3F92] =	sst lr;
	_ =	strace $0xD0000000  }
0x3: {  	_ = 	snop  }
0x4: {  	_ = 	snop  }
0x5: {  	_ = 	snop  }
0x6: {  	_ = 	snop  }
0x7: {  	_ = 	snop  }
__scs_overlays_trampoline_lowered:
0x8: {  	[smem:$0x3FA1] =	sst s0  }
0x9: {  	[smem:$0x3FA2] =	sst s1  }
0xa: {  	[smem:$0x3FA3] =	sst s2  }
0xb: {  	[smem:$0x3FA4] =	sst s3  }
0xc: {  	[smem:$0x3FA5] =	sst s4  }
0xd: {  	[smem:$0x3FA6] =	sst s5  }
0xe: {  	[smem:$0x3FA7] =	sst s6  }
0xf: {  	[smem:$0x3FA8] =	sst s7  }
0x10: {  	[smem:$0x3FA9] =	sst s8  }
0x11: {  	[smem:$0x3FAA] =	sst s9;
	s0 =	simm.s32 @!p0 $0x0  }
0x12: {  	s1 =	sld [smem:$0x3F90];
	s0 =	simm.s32 @p0 $0x1  }
0x13: {  	[smem:$0x3FAB] =	sst s0;
	s0 =	simm.s32 @!p1 $0x0  }
0x14: {  	s2 =	sld [smem:$0x3F8F];
	s0 =	simm.s32 @p1 $0x1  }
0x15: {  	[smem:$0x3FAC] =	sst s0;
	s0 =	simm.s32 @!p2 $0x0  }
0x16: {  	s3 =	sld [smem:$0x3FDB];
	s0 =	simm.s32 @p2 $0x1  }
0x17: {  	s4 =	simm.s32 $0x1BF5;
	[smem:$0x3FAE] =	sst s0  }
0x18: {  	s0 =	sld [smem:$0x3F91];
	_ =	swait.ge [sflag:s4], $0x0  }
0x19: {  	s7 =	sld [smem:$0x3F92]  }
0x1a: {  	s8 =	sadd.s32 $0xFFFFE003, lr  }
0x1b: {  	s9 =	sadd.s32 $0xFFFFFEF7, lr;
	s5 =	simm.s32 $0xFFFFFFFF;
	p2 =	slt.u32 s8, $0xFFFFF086  }
0x1c: {  	p1 =	slt.u32 s9, $0xF7A;
	s5 =	simm.s32 @!p2 $0x0  }
0x1d: {  	s5 =	simm.s32 @p1 $0x1;
	p0 =	seq.s32 s7, s2  }
0x1e: {  	s7 =	smul.u32 @!p0 $0xF7A, s2;
	p2 =	seq.s32 @!p0 s5, $0x0  }
0x1f: {  	s9 =	smul.u32 $0xF7A, s1;
	s8 =	simm.s32 @!p0 $0x1BF5;
	p2 =	por !p2, p0  }
0x20: {  	[sflag:s8] =	ssyncset.s32 @!p0 $0xFFFFF086;
	s6 =	sadd.s32 @!p0 s3, s7;
	s7 =	simm.s32 @!p0 $0x108  }
0x21: {  	s3 =	sadd.s32 s3, s9;
	s6 =	sadd.s32 @!p0 $0x88, s6;
	s7 =	simm.s32 @p2 $0x1082  }
0x22: {  	[simem:s7], [sflag:s8] =	dma.local @!p0 [hbm:s6], $0xF7A  }
0x23: {  	s9 =	sor.u32 $0xD0000000, s2;
	s6 =	simm.s32 $0x108;
	_ =	swait.ge @!p0 [sflag:s8], $0x0  }
0x24: {  	s3 =	sadd.s32 $0x88, s3;
	s6 =	simm.s32 @!p1 $0x1082;
	[sflag:s4] =	ssyncset.s32 $0xFFFFF086  }
0x25: {  	[simem:s6], [sflag:s4] =	dma.local [hbm:s3], $0xF7A  }
0x26: {  	[smem:$0x3F92] =	sst s1;
	(tag) =	ssettag s2;
	_ =	strace s9  }
0x27: {  	s1 =	sld [smem:$0x3FA2]  }
0x28: {  	s2 =	sld [smem:$0x3FA3]  }
0x29: {  	s4 =	sld [smem:$0x3FA5]  }
0x2a: {  	p0 =	seq.s32 s5, $0x0;
	s5 =	sld [smem:$0x3FA6]  }
0x2b: {  	s6 =	sld [smem:$0x3FA7]  }
0x2c: {  	s7 =	sld [smem:$0x3FA8]  }
0x2d: {  	s3 =	simm.s32 $0x108;
	s8 =	sld [smem:$0x3FA9]  }
0x2e: {  	s3 =	simm.s32 @!p0 $0x1082;
	s9 =	sld [smem:$0x3FAA]  }
0x2f: {  	lr =	sadd.s32 s0, s3;
	s0 =	sld [smem:$0x3FA1]  }
0x30: {  	s3 =	sld [smem:$0x3FA4]  }
0x31: {  	[smem:$0x3FAD] =	sst s10  }
0x32: {  	s10 =	sld [smem:$0x3FAB];
	_ =	sdelay $0x3  }
0x33: {  	p0 =	seq.s32 s10, $0x1;
	s10 =	sld [smem:$0x3FAD];
	_ =	sdelay $0x3  }
0x34: {  	[smem:$0x3FAD] =	sst s10  }
0x35: {  	s10 =	sld [smem:$0x3FAC];
	_ =	sdelay $0x3  }
0x36: {  	p1 =	seq.s32 s10, $0x1;
	s10 =	sld [smem:$0x3FAD];
	_ =	sdelay $0x3  }
0x37: {  	[smem:$0x3FAD] =	sst s10  }
0x38: {  	s10 =	sld [smem:$0x3FAE]  }
0x39: {  	_ = 	snop;
	(pc) =	sbr.ind lr, $3  }
0x3a: {  	_ = 	snop  }
0x3b: {  	_ = 	snop  }
0x3c: {  	p2 =	seq.s32 s10, $0x1;
	s10 =	sld [smem:$0x3FAD]  }
0x3d: {  	_ =	shalt  }
0x3e: {  	_ =	shalt  }
0x3f: {  	_ =	shalt  }
0x40: {  	_ =	shalt  }
0x41: {  	_ =	shalt  }
0x42: {  	_ =	shalt  }
0x43: {  	_ =	shalt  }
0x44: {  	_ =	shalt  }
0x45: {  	_ =	shalt  }
0x46: {  	_ =	shalt  }
0x47: {  	_ =	shalt  }
0x48: {  	_ =	shalt  }
0x49: {  	_ =	shalt  }
0x4a: {  	_ =	shalt  }
0x4b: {  	_ =	shalt  }
0x4c: {  	_ =	shalt  }
0x4d: {  	_ =	shalt  }
0x4e: {  	_ =	shalt  }
0x4f: {  	_ =	shalt  }
0x50: {  	_ =	shalt  }
0x51: {  	_ =	shalt  }
0x52: {  	_ =	shalt  }
0x53: {  	_ =	shalt  }
0x54: {  	_ =	shalt  }
0x55: {  	_ =	shalt  }
0x56: {  	_ =	shalt  }
0x57: {  	_ =	shalt  }
0x58: {  	_ =	shalt  }
0x59: {  	_ =	shalt  }
0x5a: {  	_ =	shalt  }
0x5b: {  	_ =	shalt  }
0x5c: {  	_ =	shalt  }
0x5d: {  	_ =	shalt  }
0x5e: {  	_ =	shalt  }
0x5f: {  	_ =	shalt  }
0x60: {  	_ =	shalt  }
0x61: {  	_ =	shalt  }
0x62: {  	_ =	shalt  }
0x63: {  	_ =	shalt  }
0x64: {  	_ =	shalt  }
0x65: {  	_ =	shalt  }
0x66: {  	_ =	shalt  }
0x67: {  	_ =	shalt  }
0x68: {  	_ =	shalt  }
0x69: {  	_ =	shalt  }
0x6a: {  	_ =	shalt  }
0x6b: {  	_ =	shalt  }
0x6c: {  	_ =	shalt  }
0x6d: {  	_ =	shalt  }
0x6e: {  	_ =	shalt  }
0x6f: {  	_ =	shalt  }
0x70: {  	_ =	shalt  }
0x71: {  	_ =	shalt  }
0x72: {  	_ =	shalt  }
0x73: {  	_ =	shalt  }
0x74: {  	_ =	shalt  }
0x75: {  	_ =	shalt  }
0x76: {  	_ =	shalt  }
0x77: {  	_ =	shalt  }
0x78: {  	_ =	shalt  }
0x79: {  	_ =	shalt  }
0x7a: {  	_ =	shalt  }
0x7b: {  	_ =	shalt  }
0x7c: {  	_ =	shalt  }
0x7d: {  	_ =	shalt  }
0x7e: {  	_ =	shalt  }
0x7f: {  	_ =	shalt  }
0x80: {  	_ =	shalt  }
0x81: {  	_ =	shalt  }
0x82: {  	_ =	shalt  }
0x83: {  	_ =	shalt  }
0x84: {  	_ =	shalt  }
0x85: {  	_ =	shalt  }
0x86: {  	_ =	shalt  }
0x87: {  	_ =	shalt  }
.Lfunc_end0:
.L_simem_size_0:
called_computation_lowered:
.L_overlay_start_0:
0x88: {  	s2 =	sld [smem:$0x3FD9]  }
0x89: {  	s3 =	sld [smem:$0x3FFE];
	_ =	sdelay $0x1  }
0x8a: {  	s1 =	srdreg.scid  }
0x8b: {  	s0 =	sand.u32 $0x1, s1  }
0x8c: {  	s16 =	sshll.u32 s0, $0xA;
	s2 =	sadd.s32 s3, s2  }
0x8d: {  	s2 =	sadd.s32 s2, s16  }
0x8e: {  	[smem:$0x3FB9] =	sst s2  }
0x8f: {  	_ = 	snop  }
0x90: {  	(tm) =	ssettm $0x1  }
0x91: {  	s17 =	sld [smem:$0x3FFB];
	_ =	sdelay $0x3  }
0x92: {  	_ =	strace s17  }
0x93: {  	s2 =	sld [smem:$0x3FFC];
	_ =	sdelay $0x3  }
0x94: {  	_ =	strace s2  }
0x95: {  	s2 =	sld [smem:$0x3FFD];
	_ =	sdelay $0x3  }
0x96: {  	_ =	strace s2  }
0x97: {  	_ =	strace $0x8FFFFFFF  }
0x98: {  	s18 =	sld [smem:$0x3FDB];
	_ =	sdelay $0x1  }
0x99: {  	s19 =	simm.s32 $_scs_section_size  }
0x9a: {  	s4 =	simm.s32 $_size__tile_overlayer_lowered;
	s5 =	simm.s32 $_tile_overlayer_lowered  }
0x9b: {  	s22 =	simm.s32 $0x1BFF;
	s21 =	sshll.u32 s5, $0x1;
	s2 =	sadd.s32 s19, s18  }
0x9c: {  	s6 =	simm.s32 $0x0;
	s20 =	sshll.u32 s4, $0x1;
	s4 =	sadd.s32 s21, s2  }
0x9d: {  	[timem:s6], [sflag:s22] =	dma.local [hbm:s4], s20  }
0x9e: {  	_ =	swait.ge [sflag:s22], s20  }
0x9f: {  	s3 =	ssub.s32 $0x0, s20;
	[sflag:s22] =	ssyncset.done $0x0  }
0xa0: {  	[sflag:s22] =	ssyncadd.s32 s3;
	_ =	sdelay $0x1  }
0xa1: {  	s23 =	simm.s32 $0x1B8B  }
0xa2: {  	_ =	swait.ge [sflag:s23], $0x1  }
0xa3: {  	[sflag:s23] =	ssyncset.done $0x0  }
0xa4: {  	s25 =	simm.s32 $0x1B8E;
	s24 =	sld [smem:$0x3FFE];
	[sflag:s23] =	ssyncadd.s32 $0xFFFFFFFF  }
0xa5: {  	s26 =	simm.s32 $execute0_lowered;
	[smem:$0x3FD2] =	sst s25  }
0xa6: {  	s4 =	sshll.u32 s26, $0x1;
	_ =	strace $0x80000046;
	[dreg:$0x1] =	wrdreg $0xFFFFFFFF  }
0xa7: {  	s28 =	simm.s32 $_size_execute0_lowered;
	s2 =	sadd.s32 s2, s4;
	[dreg:$0x0] =	wrdreg $0x0  }
0xa8: {  	s4 =	sshll.u32 s28, $0x1;
	[dreg:$0x2] =	wrdreg s2  }
0xa9: {  	[dreg:$0x3] =	wrdreg s4  }
0xaa: {  	[dreg:$0x4] =	wrdreg $0xC0  }
0xab: {  	_ =	task [dreg:s6], $0x5FFFF  }
0xac: {  	[dreg:$0x1] =	wrdreg $0xFFFFFFFF  }
0xad: {  	[dreg:$0x0] =	wrdreg $0x60  }
0xae: {  	[dreg:$0x2] =	wrdreg s24  }
0xaf: {  	[dreg:$0x3] =	wrdreg $0x9  }
0xb0: {  	_ =	task.clear_ibuf [dreg:s6], $0x4FFFF;
	_ =	strace $0x90000046  }
0xb1: {  	s29 =	simm.s32 $0x9;
	_ =	strace $0x80000048  }
0xb2: {  	_ =	swait.ge [sflag:s29], $0x1  }
0xb3: {  	[sflag:s29] =	ssyncadd.s32 $0xFFFFFFFF  }
0xb4: {  	_ =	strace $0x90000048  }
0xb5: {  	_ =	sfence  }
0xb6: {  	s30 =	sld [smem:$0x0];
	_ =	sdelay $0x2  }
0xb7: {  	s31 =	sshll.u32 s1, $0xD;
	s1 =	sshrl.u32 s1, $0x2  }
0xb8: {  	s3 =	sand.u32 $0x4000, s31;
	s1 =	sadd.s32 s1, s30  }
0xb9: {  	s0 =	sor.u32 s3, s0;
	s1 =	sshll.u32 s1, $0x11  }
0xba: {  	s0 =	sor.u32 s1, s0  }
0xbb: {  	s0 =	sadd.s32 $0x8F2B, s0  }
0xbc: {  	[sflag:s0] =	ssyncadd.remote.s32 $0x1  }
0xbd: {  	_ =	sfence.sel $0xFFFF  }
0xbe: {  	[dreg:$0x0] =	wrdreg $0xFFFFFFFF;
	(pc) =	sbr.abs _section_cstart, $3  }
0xbf: {  	[dreg:$0x1] =	wrdreg $0xFFFFFFFF  }
0xc0: {  	_ =	task.clear_ibuf [dreg:s6], $0x2FFFF;
	_ =	strace $0x9FFFFFFF  }
0xc1: {  	(tm) =	ssettm $0x7FFFFFFF  }
tec
execute0_lowered:
.L_overlay_start_1:
0x0: {  	(tag) =	ssettag $0x1  }
0x1: {  	s0 =	srdreg.scid;
	s5 =	rddreg [dreg:$0x0]  }
0x2: {  	s1 =	stileid.u32;
	s6 =	simm.s32 $0x1;
	s9 =	simm.s32 $0x1  }
0x3: {  	s10 =	simm.s32 $0x3;
	s13 =	simm.s32 $0x0;
	s2 =	sshll.u32 s0, $0x6  }
0x4: {  	s12 =	simm.s32 $0x0;
	s3 =	sshll.u32 s1, $0x7;
	s2 =	sand.u32 $0x40, s2  }
0x5: {  	s0 =	rddreg [dreg:$0x1];
	_ =	strace $0x80000047;
	s2 =	sor.u32 s3, s2  }
0x6: {  	s4 =	sadd.s32 $0x3800, s5;
	[sflag:s6] =	ssyncpa.u1 $0x0;
	s8 =	ssub.s32 $0x1000, s2  }
.Ltmp0:
0x7: {  	s3 =	sadd.s32 $0x3600, s5;
	s7 =	sand.u32 $0x7C0, s8;
	(pc) =	sbr.rel .LBB2_1-.Ltmp0, $4  }
0x8: {  	s5 =	sadd.s32 $0x3A00, s5;
	s11 =	smov.u32 s2;
	p0 =	sne.s32 s7, $0x0  }
0x9: {  	s8 =	sshrl.u32 s8, $0xB;
	s7 =	simm.s32 $0x2;
	s9 =	simm.s32 @!p0 $0x0  }
0xa: {  	[sflag:s7] =	ssyncpa.u1 $0x0;
	p0 =	por $0x0, $0x0;
	s8 =	sadd.s32 s9, s8  }
0xb: {  	vm0 =	vmmov $0xffff;
	[sflag:s10] =	ssyncpa.u1 $0x0;
	s10 =	simm.s32 $0x0;
	s9 =	sadd.s32 $0x1, s8  }
.LBB2_4:
0xc: {  	v2 =	vnsel vm1, $0x0, v2  }
0xd: {  	vm1 =	vgt.s32 v0, $0x0;
	v2 =	vmin.u32 v2, $0xF9F  }
0xe: {  	v0 =	vnsel vm1, $0x0, v0  }
0xf: {  	v0 =	vmin.u32 v0, $0xF9F  }
0x10: {  	[tilespmem:s15], [sflag:$0x1] =	stream.indirect_vreg.gather [hbm4b:s3+s10], $0x1, v1, vm0, $0x4038;
	[tilespmem:$0x100] =	vst v63  }
0x11: {  	(ifvalue) =	ssetifvalue $0x7FFFFFFF  }
0x12: {  	[tilespmem:s16], [sflag:$0x1] =	stream.indirect_vreg.gather [hbm4b:s3+s10], $0x1, v2, vm0, $0x4038;
	[tilespmem:$0x100] =	vst v63  }
0x13: {  	s29 =	sadd.s32 $0x10, s16;
	(ifvalue) =	ssetifvalue $0x7FFFFFFF  }
0x14: {  	[tilespmem:s29], [sflag:$0x1] =	stream.indirect_vreg.gather [hbm4b:s3+s10], $0x1, v0, vm0, $0x4038;
	[tilespmem:$0x100] =	vst v63  }
0x15: {  	_ =	swait.ge [sflag:s6], $0x40  }
0x16: {  	s30 =	sshrl.u32 s13, $0x3;
	[sflag:s6] =	ssyncset.done $0x0  }
0x17: {  	s31 =	sand.u32 $0x7, s13;
	s15 =	sadd.s32 s5, s30;
	[sflag:s6] =	ssyncadd.s32 $0xFFFFFFC0  }
0x18: {  	[hbm4b:s15+s31] =	stream.linear.scatter [tilespmem:s14], [sflag:$0x3], $0x40, $0x38;
	[tilespmem:$0x100] =	vst v63  }
.LBB2_5:
0x19: {  	s15 =	sadd.s32 $0x800, s11  }
0x1a: {  	p2 =	sgt.s32 s15, $0xFFF  }
0x1b: {  	s15 =	smov.u32 @p2 s2;
	p2 =	sne.s32 s12, s9  }
.Ltmp1:
0x1c: {  	p1 =	slt.u32 s12, $0x2;
	(pc) =	sbr.rel @!p2 .LBB2_6-.Ltmp1, $4  }
0x1d: {  	s14 =	simm.s32 @!p1 $0x3  }
0x1e: {  	s16 =	sadd.s32 $0x1, s12;
	_ =	swait.ge @!p1 [sflag:s14], $0x40  }
0x1f: {  	s13 =	smov.u32 s11;
	p0 =	por !p0, !p0;
	[sflag:s14] =	ssyncset.done @!p1 $0x0  }
0x20: {  	s12 =	smov.u32 s16;
	s11 =	smov.u32 s15;
	[sflag:s14] =	ssyncadd.s32 @!p1 $0xFFFFFFC0  }
.LBB2_1:
0x21: {  	p1 =	sge.u32 s12, s8  }
0x22: {  	s14 =	sxor.u32 @!p1 $0xFFFFFFFF, s12  }
0x23: {  	s31 =	sadd.s32 $0xFFFFFFFF, s12;
	s15 =	sshrl.u32 @!p1 s11, $0x3;
	s14 =	sshll.u32 @!p1 s14, $0x6  }
0x24: {  	s16 =	sand.u32 @!p1 $0x7, s11;
	s15 =	sadd.s32 @!p1 s4, s15;
	s14 =	sand.u32 @!p1 $0x40, s14  }
0x25: {  	[tilespmem:s14], [sflag:$0x2] =	stream.linear.gather @!p1 [hbm4b:s15+s16], $0x40, $0x38;
	[tilespmem:$0x100] =	vst v63  }
0x26: {  	p1 =	sge.u32 s31, s8  }
.Ltmp2:
0x27: {  	_ = 	snop;
	(pc) =	sbr.rel @p1 .LBB2_5-.Ltmp2, $1  }
0x28: {  	_ =	sdelay $0x3  }
0x29: {  	s14 =	simm.s32 $0x1  }
0x2a: {  	_ =	swait.ge [sflag:s7], $0x40;
	s14 =	simm.s32 @!p0 $0x0  }
0x2b: {  	[sflag:s7] =	ssyncset.done $0x0;
	s14 =	sshll.u32 s14, $0x6  }
0x2c: {  	[sflag:s7] =	ssyncadd.s32 $0xFFFFFFC0;
	(ifvalue) =	ssetifvalue $0x7FFFFFFF;
	v0 =	vld.msk [tilespmem:s14+$0x0 ss:$0x1], $0xffff;
	_ =	sdelay $0x4  }
0x2d: {  	s15 =	sadd.s32 $0x10, s14;
	vm1 =	vgt.s32 v0, $0x0  }
0x2e: {  	v2 =	vld.msk [tilespmem:s15+$0x0 ss:$0x1], $0xffff;
	v1 =	vnsel vm1, $0x0, v0  }
0x2f: {  	v1 =	vmin.u32 v1, $0xF9F;
	_ =	sdelay $0x1  }
0x30: {  	s16 =	sshll.u32 s12, $0x6;
	s18 =	simm.s32 $0x20  }
0x31: {  	s16 =	sand.u32 $0x40, s16;
	s17 =	sadd.s32 $0x10, s15;
	s15 =	sor.u32 $0x80, s14  }
0x32: {  	s14 =	sor.u32 $0x80, s16;
	s16 =	sadd.s32 $0x10, s15;
	v0 =	vld.msk [tilespmem:s17+$0x0 ss:$0x1], $0xffff;
	vm1 =	vgt.s32 v2, $0x0;
	(ifvalue) =	ssetifvalue $0x7FFFFFFF  }
.LBB2_3:
0x33: {  	[tilespmem:s15], [sflag:$0x1] =	stream.indirect_vreg.gather [hbm4b:s3+s10], $0x1, v1, vm0, $0x4038;
	[tilespmem:$0x100] =	vst v63  }
0x34: {  	s18 =	sadd.s32 $0x10, s18  }
0x35: {  	v2 =	vnsel vm1, $0x0, v2;
	p1 =	slt.u32 s18, $0x30  }
.Ltmp3:
0x36: {  	s15 =	smov.u32 s16;
	v1 =	vmin.u32 v2, $0xF9F;
	(pc) =	sbr.rel @p1 .LBB2_3-.Ltmp3, $3  }
0x37: {  	_ =	sdelay $0x1  }
0x38: {  	s17 =	sadd.s32 $0x10, s17  }
0x39: {  	vm1 =	vgt.s32 v0, $0x0;
	s16 =	sadd.s32 $0x10, s16;
	v2 =	vmov v0;
	(ifvalue) =	ssetifvalue $0x7FFFFFFF;
	v0 =	vld.msk [tilespmem:s17+$0x0 ss:$0x1], $0xffff  }
.Ltmp4:
0x3a: {  	_ = 	snop;
	(pc) =	sbr.rel .LBB2_4-.Ltmp4, $1  }
0x3b: {  	_ =	sdelay $0x3  }
.LBB2_6:
0x3c: {  	_ =	sfence.sel $0x180000  }
0x3d: {  	s2 =	simm.s32 $0x2;
	[bflag:$0x0] =	sbarrier.arrive $0xFFFF  }
0x3e: {  	s30 =	simm.s32 $0x3;
	[sflag:s2] =	ssyncpa.u1 $0x1  }
0x3f: {  	s31 =	simm.s32 $0x1;
	[sflag:s30] =	ssyncpa.u1 $0x1  }
0x40: {  	[sflag:s31] =	ssyncpa.u1 $0x1  }
0x41: {  	p0 =	sne.s32 s1, $0x0;
	_ =	strace $0x90000047  }
0x42: {  	s0 =	sadd.s32 @!p0 $0x100000, s0;
	[bflag:$0x2] =	sbarrier.arrive $0xFFFF  }
0x43: {  	[sflag:s0] =	ssyncadd.tile.s32 @!p0 $0x1;
	_ =	shalt  }
.Lfunc_end2:
_tile_overlayer_lowered:
.L_overlay_start_2:
0x44: {  	(tag) =	ssettag $0x2  }
0x45: {  	s0 =	rddreg [dreg:$0x0];
	s2 =	stileid.u32  }
0x46: {  	s1 =	rddreg [dreg:$0x1];
	p0 =	sne.s32 s2, $0x0  }
0x47: {  	s3 =	rddreg [dreg:$0x2];
	[bflag:$0x3] =	sbarrier.arrive $0xFFFF;
	s2 =	simm.s32 @!p0 $0x1C01  }
0x48: {  	[timem:s3], [sflag:s2] =	dma.local @!p0 [hbm:s0], s1  }
0x49: {  	s0 =	simm.s32 @!p0 $0x1  }
0x4a: {  	_ =	swait.ge @!p0 [sflag:s0], s1  }
0x4b: {  	s1 =	ssub.s32 @!p0 $0x0, s1;
	[sflag:s0] =	ssyncset.done @!p0 $0x0  }
0x4c: {  	[sflag:s0] =	ssyncadd.s32 @!p0 s1  }
0x4d: {  	[bflag:$0x3] =	sbarrier.arrive $0xFFFF  }
0x4e: {  	_ =	shalt  }

// kernel: kernel.14.cloned.1.call-start
scs
__scs_entry_jumppad:
0x0: {  	(pc) =	sbr.rel $0x88, $3  }
0x1: {  	(tag) =	ssettag $0x0;
	lr =	simm.s32 $0x1  }
0x2: {  	[smem:$0x3F92] =	sst lr;
	_ =	strace $0xD0000000  }
0x3: {  	_ = 	snop  }
0x4: {  	_ = 	snop  }
0x5: {  	_ = 	snop  }
0x6: {  	_ = 	snop  }
0x7: {  	_ = 	snop  }
__scs_overlays_trampoline_lowered:
0x8: {  	[smem:$0x3FA1] =	sst s0  }
0x9: {  	[smem:$0x3FA2] =	sst s1  }
0xa: {  	[smem:$0x3FA3] =	sst s2  }
0xb: {  	[smem:$0x3FA4] =	sst s3  }
0xc: {  	[smem:$0x3FA5] =	sst s4  }
0xd: {  	[smem:$0x3FA6] =	sst s5  }
0xe: {  	[smem:$0x3FA7] =	sst s6  }
0xf: {  	[smem:$0x3FA8] =	sst s7  }
0x10: {  	[smem:$0x3FA9] =	sst s8  }
0x11: {  	[smem:$0x3FAA] =	sst s9;
	s0 =	simm.s32 @!p0 $0x0  }
0x12: {  	s1 =	sld [smem:$0x3F90];
	s0 =	simm.s32 @p0 $0x1  }
0x13: {  	[smem:$0x3FAB] =	sst s0;
	s0 =	simm.s32 @!p1 $0x0  }
0x14: {  	s2 =	sld [smem:$0x3F8F];
	s0 =	simm.s32 @p1 $0x1  }
0x15: {  	[smem:$0x3FAC] =	sst s0;
	s0 =	simm.s32 @!p2 $0x0  }
0x16: {  	s3 =	sld [smem:$0x3FDB];
	s0 =	simm.s32 @p2 $0x1  }
0x17: {  	s4 =	simm.s32 $0x1BF5;
	[smem:$0x3FAE] =	sst s0  }
0x18: {  	s0 =	sld [smem:$0x3F91];
	_ =	swait.ge [sflag:s4], $0x0  }
0x19: {  	s7 =	sld [smem:$0x3F92]  }
0x1a: {  	s8 =	sadd.s32 $0xFFFFE003, lr  }
0x1b: {  	s9 =	sadd.s32 $0xFFFFFEF7, lr;
	s5 =	simm.s32 $0xFFFFFFFF;
	p2 =	slt.u32 s8, $0xFFFFF086  }
0x1c: {  	p1 =	slt.u32 s9, $0xF7A;
	s5 =	simm.s32 @!p2 $0x0  }
0x1d: {  	s5 =	simm.s32 @p1 $0x1;
	p0 =	seq.s32 s7, s2  }
0x1e: {  	s7 =	smul.u32 @!p0 $0xF7A, s2;
	p2 =	seq.s32 @!p0 s5, $0x0  }
0x1f: {  	s9 =	smul.u32 $0xF7A, s1;
	s8 =	simm.s32 @!p0 $0x1BF5;
	p2 =	por !p2, p0  }
0x20: {  	[sflag:s8] =	ssyncset.s32 @!p0 $0xFFFFF086;
	s6 =	sadd.s32 @!p0 s3, s7;
	s7 =	simm.s32 @!p0 $0x108  }
0x21: {  	s3 =	sadd.s32 s3, s9;
	s6 =	sadd.s32 @!p0 $0x88, s6;
	s7 =	simm.s32 @p2 $0x1082  }
0x22: {  	[simem:s7], [sflag:s8] =	dma.local @!p0 [hbm:s6], $0xF7A  }
0x23: {  	s9 =	sor.u32 $0xD0000000, s2;
	s6 =	simm.s32 $0x108;
	_ =	swait.ge @!p0 [sflag:s8], $0x0  }
0x24: {  	s3 =	sadd.s32 $0x88, s3;
	s6 =	simm.s32 @!p1 $0x1082;
	[sflag:s4] =	ssyncset.s32 $0xFFFFF086  }
0x25: {  	[simem:s6], [sflag:s4] =	dma.local [hbm:s3], $0xF7A  }
0x26: {  	[smem:$0x3F92] =	sst s1;
	(tag) =	ssettag s2;
	_ =	strace s9  }
0x27: {  	s1 =	sld [smem:$0x3FA2]  }
0x28: {  	s2 =	sld [smem:$0x3FA3]  }
0x29: {  	s4 =	sld [smem:$0x3FA5]  }
0x2a: {  	p0 =	seq.s32 s5, $0x0;
	s5 =	sld [smem:$0x3FA6]  }
0x2b: {  	s6 =	sld [smem:$0x3FA7]  }
0x2c: {  	s7 =	sld [smem:$0x3FA8]  }
0x2d: {  	s3 =	simm.s32 $0x108;
	s8 =	sld [smem:$0x3FA9]  }
0x2e: {  	s3 =	simm.s32 @!p0 $0x1082;
	s9 =	sld [smem:$0x3FAA]  }
0x2f: {  	lr =	sadd.s32 s0, s3;
	s0 =	sld [smem:$0x3FA1]  }
0x30: {  	s3 =	sld [smem:$0x3FA4]  }
0x31: {  	[smem:$0x3FAD] =	sst s10  }
0x32: {  	s10 =	sld [smem:$0x3FAB];
	_ =	sdelay $0x3  }
0x33: {  	p0 =	seq.s32 s10, $0x1;
	s10 =	sld [smem:$0x3FAD];
	_ =	sdelay $0x3  }
0x34: {  	[smem:$0x3FAD] =	sst s10  }
0x35: {  	s10 =	sld [smem:$0x3FAC];
	_ =	sdelay $0x3  }
0x36: {  	p1 =	seq.s32 s10, $0x1;
	s10 =	sld [smem:$0x3FAD];
	_ =	sdelay $0x3  }
0x37: {  	[smem:$0x3FAD] =	sst s10  }
0x38: {  	s10 =	sld [smem:$0x3FAE]  }
0x39: {  	_ = 	snop;
	(pc) =	sbr.ind lr, $3  }
0x3a: {  	_ = 	snop  }
0x3b: {  	_ = 	snop  }
0x3c: {  	p2 =	seq.s32 s10, $0x1;
	s10 =	sld [smem:$0x3FAD]  }
0x3d: {  	_ =	shalt  }
0x3e: {  	_ =	shalt  }
0x3f: {  	_ =	shalt  }
0x40: {  	_ =	shalt  }
0x41: {  	_ =	shalt  }
0x42: {  	_ =	shalt  }
0x43: {  	_ =	shalt  }
0x44: {  	_ =	shalt  }
0x45: {  	_ =	shalt  }
0x46: {  	_ =	shalt  }
0x47: {  	_ =	shalt  }
0x48: {  	_ =	shalt  }
0x49: {  	_ =	shalt  }
0x4a: {  	_ =	shalt  }
0x4b: {  	_ =	shalt  }
0x4c: {  	_ =	shalt  }
0x4d: {  	_ =	shalt  }
0x4e: {  	_ =	shalt  }
0x4f: {  	_ =	shalt  }
0x50: {  	_ =	shalt  }
0x51: {  	_ =	shalt  }
0x52: {  	_ =	shalt  }
0x53: {  	_ =	shalt  }
0x54: {  	_ =	shalt  }
0x55: {  	_ =	shalt  }
0x56: {  	_ =	shalt  }
0x57: {  	_ =	shalt  }
0x58: {  	_ =	shalt  }
0x59: {  	_ =	shalt  }
0x5a: {  	_ =	shalt  }
0x5b: {  	_ =	shalt  }
0x5c: {  	_ =	shalt  }
0x5d: {  	_ =	shalt  }
0x5e: {  	_ =	shalt  }
0x5f: {  	_ =	shalt  }
0x60: {  	_ =	shalt  }
0x61: {  	_ =	shalt  }
0x62: {  	_ =	shalt  }
0x63: {  	_ =	shalt  }
0x64: {  	_ =	shalt  }
0x65: {  	_ =	shalt  }
0x66: {  	_ =	shalt  }
0x67: {  	_ =	shalt  }
0x68: {  	_ =	shalt  }
0x69: {  	_ =	shalt  }
0x6a: {  	_ =	shalt  }
0x6b: {  	_ =	shalt  }
0x6c: {  	_ =	shalt  }
0x6d: {  	_ =	shalt  }
0x6e: {  	_ =	shalt  }
0x6f: {  	_ =	shalt  }
0x70: {  	_ =	shalt  }
0x71: {  	_ =	shalt  }
0x72: {  	_ =	shalt  }
0x73: {  	_ =	shalt  }
0x74: {  	_ =	shalt  }
0x75: {  	_ =	shalt  }
0x76: {  	_ =	shalt  }
0x77: {  	_ =	shalt  }
0x78: {  	_ =	shalt  }
0x79: {  	_ =	shalt  }
0x7a: {  	_ =	shalt  }
0x7b: {  	_ =	shalt  }
0x7c: {  	_ =	shalt  }
0x7d: {  	_ =	shalt  }
0x7e: {  	_ =	shalt  }
0x7f: {  	_ =	shalt  }
0x80: {  	_ =	shalt  }
0x81: {  	_ =	shalt  }
0x82: {  	_ =	shalt  }
0x83: {  	_ =	shalt  }
0x84: {  	_ =	shalt  }
0x85: {  	_ =	shalt  }
0x86: {  	_ =	shalt  }
0x87: {  	_ =	shalt  }
.Lfunc_end0:
.L_simem_size_0:
called_computation.1_lowered:
.L_overlay_start_0:
0x88: {  	s2 =	sld [smem:$0x3FD9]  }
0x89: {  	s3 =	sld [smem:$0x3FFE];
	_ =	sdelay $0x1  }
0x8a: {  	s1 =	srdreg.scid  }
0x8b: {  	s0 =	sand.u32 $0x1, s1  }
0x8c: {  	s16 =	sshll.u32 s0, $0xA;
	s2 =	sadd.s32 s3, s2  }
0x8d: {  	s2 =	sadd.s32 s2, s16  }
0x8e: {  	[smem:$0x3FB9] =	sst s2  }
0x8f: {  	_ = 	snop  }
0x90: {  	(tm) =	ssettm $0x1  }
0x91: {  	s17 =	sld [smem:$0x3FFB];
	_ =	sdelay $0x3  }
0x92: {  	_ =	strace s17  }
0x93: {  	s2 =	sld [smem:$0x3FFC];
	_ =	sdelay $0x3  }
0x94: {  	_ =	strace s2  }
0x95: {  	s2 =	sld [smem:$0x3FFD];
	_ =	sdelay $0x3  }
0x96: {  	_ =	strace s2  }
0x97: {  	_ =	strace $0x8FFFFFFF  }
0x98: {  	s18 =	sld [smem:$0x3FDB];
	_ =	sdelay $0x1  }
0x99: {  	s19 =	simm.s32 $_scs_section_size  }
0x9a: {  	s4 =	simm.s32 $_size__tile_overlayer_lowered;
	s5 =	simm.s32 $_tile_overlayer_lowered  }
0x9b: {  	s22 =	simm.s32 $0x1BFF;
	s21 =	sshll.u32 s5, $0x1;
	s2 =	sadd.s32 s19, s18  }
0x9c: {  	s6 =	simm.s32 $0x0;
	s20 =	sshll.u32 s4, $0x1;
	s4 =	sadd.s32 s21, s2  }
0x9d: {  	[timem:s6], [sflag:s22] =	dma.local [hbm:s4], s20  }
0x9e: {  	_ =	swait.ge [sflag:s22], s20  }
0x9f: {  	s3 =	ssub.s32 $0x0, s20;
	[sflag:s22] =	ssyncset.done $0x0  }
0xa0: {  	[sflag:s22] =	ssyncadd.s32 s3;
	_ =	sdelay $0x1  }
0xa1: {  	s23 =	simm.s32 $0x1B8B  }
0xa2: {  	_ =	swait.ge [sflag:s23], $0x1  }
0xa3: {  	[sflag:s23] =	ssyncset.done $0x0  }
0xa4: {  	s25 =	simm.s32 $0x1B8E;
	s24 =	sld [smem:$0x3FFE];
	[sflag:s23] =	ssyncadd.s32 $0xFFFFFFFF  }
0xa5: {  	s26 =	simm.s32 $execute0_lowered;
	[smem:$0x3FD2] =	sst s25  }
0xa6: {  	s4 =	sshll.u32 s26, $0x1;
	_ =	strace $0x80000049;
	[dreg:$0x1] =	wrdreg $0xFFFFFFFF  }
0xa7: {  	s28 =	simm.s32 $_size_execute0_lowered;
	s2 =	sadd.s32 s2, s4;
	[dreg:$0x0] =	wrdreg $0x0  }
0xa8: {  	s4 =	sshll.u32 s28, $0x1;
	[dreg:$0x2] =	wrdreg s2  }
0xa9: {  	[dreg:$0x3] =	wrdreg s4  }
0xaa: {  	[dreg:$0x4] =	wrdreg $0xC0  }
0xab: {  	_ =	task [dreg:s6], $0x5FFFF  }
0xac: {  	[dreg:$0x1] =	wrdreg $0xFFFFFFFF  }
0xad: {  	[dreg:$0x0] =	wrdreg $0x60  }
0xae: {  	[dreg:$0x2] =	wrdreg s24  }
0xaf: {  	[dreg:$0x3] =	wrdreg $0x9  }
0xb0: {  	_ =	task.clear_ibuf [dreg:s6], $0x4FFFF;
	_ =	strace $0x90000049  }
0xb1: {  	s29 =	simm.s32 $0x9;
	_ =	strace $0x8000004B  }
0xb2: {  	_ =	swait.ge [sflag:s29], $0x1  }
0xb3: {  	[sflag:s29] =	ssyncadd.s32 $0xFFFFFFFF  }
0xb4: {  	_ =	strace $0x9000004B  }
0xb5: {  	_ =	sfence  }
0xb6: {  	s30 =	sld [smem:$0x0];
	_ =	sdelay $0x2  }
0xb7: {  	s31 =	sshll.u32 s1, $0xD;
	s1 =	sshrl.u32 s1, $0x2  }
0xb8: {  	s3 =	sand.u32 $0x4000, s31;
	s1 =	sadd.s32 s1, s30  }
0xb9: {  	s0 =	sor.u32 s3, s0;
	s1 =	sshll.u32 s1, $0x11  }
0xba: {  	s0 =	sor.u32 s1, s0  }
0xbb: {  	s0 =	sadd.s32 $0x8F2B, s0  }
0xbc: {  	[sflag:s0] =	ssyncadd.remote.s32 $0x1  }
0xbd: {  	_ =	sfence.sel $0xFFFF  }
0xbe: {  	[dreg:$0x0] =	wrdreg $0xFFFFFFFF;
	(pc) =	sbr.abs _section_cstart, $3  }
0xbf: {  	[dreg:$0x1] =	wrdreg $0xFFFFFFFF  }
0xc0: {  	_ =	task.clear_ibuf [dreg:s6], $0x2FFFF;
	_ =	strace $0x9FFFFFFF  }
0xc1: {  	(tm) =	ssettm $0x7FFFFFFF  }
tec
execute0_lowered:
.L_overlay_start_1:
0x0: {  	(tag) =	ssettag $0x1  }
0x1: {  	s1 =	srdreg.scid;
	s0 =	stileid.u32  }
0x2: {  	s4 =	rddreg [dreg:$0x0];
	s19 =	simm.s32 $0x880;
	s20 =	simm.s32 $0x1080  }
0x3: {  	s21 =	simm.s32 $0x1880;
	s22 =	simm.s32 $0x2080;
	s23 =	simm.s32 $0x2880  }
0x4: {  	s24 =	simm.s32 $0x3080;
	s25 =	simm.s32 $0x3880;
	s26 =	simm.s32 $0x4080  }
0x5: {  	s7 =	simm.s32 $0x80;
	s9 =	simm.s32 $0x5080;
	s10 =	simm.s32 $0x5880  }
0x6: {  	s11 =	simm.s32 $0x6080;
	s12 =	simm.s32 $0x6880;
	s1 =	sand.u32 $0x1, s1  }
0x7: {  	s13 =	simm.s32 $0x7080;
	s2 =	sshll.u32 s0, $0x8;
	s3 =	sshll.u32 s1, $0x7  }
0x8: {  	s14 =	simm.s32 $0x7880;
	s3 =	sor.u32 s3, s2;
	s2 =	simm.s32 $0x0  }
0x9: {  	s15 =	simm.s32 $0x8080;
	s16 =	simm.s32 $0x8880;
	[smem:$0x7FF] =	sst s2  }
0xa: {  	s17 =	simm.s32 $0x9080;
	_ =	strace $0x8000004A;
	[dreg:$0x4] =	wrdreg s19  }
0xb: {  	s18 =	simm.s32 $0x9880;
	s28 =	simm.s32 $0xE080;
	[dreg:$0x5] =	wrdreg s20  }
0xc: {  	s29 =	simm.s32 $0xE880;
	s30 =	simm.s32 $0xF080;
	[dreg:$0x6] =	wrdreg s21  }
0xd: {  	s31 =	simm.s32 $0xF880;
	s1 =	ssub.s32 $0x2, s1;
	[dreg:$0x7] =	wrdreg s22  }
0xe: {  	s6 =	sshrl.u32 s1, $0x1;
	s5 =	sshrl.u32 s3, $0x3;
	[dreg:$0x8] =	wrdreg s23  }
0xf: {  	s3 =	sshll.u32 s3, $0x6;
	s1 =	ssub.s32 s1, s6;
	[dreg:$0x9] =	wrdreg s24  }
0x10: {  	s6 =	simm.s32 $0x2;
	s5 =	sadd.s32 s5, s4;
	[dreg:$0xa] =	wrdreg s25  }
0x11: {  	s3 =	sadd.s32 s3, s4;
	[dreg:$0xb] =	wrdreg s26;
	s19 =	simm.s32 $0xA080  }
0x12: {  	s20 =	simm.s32 $0xA880;
	s21 =	simm.s32 $0xB080;
	s22 =	simm.s32 $0xB880  }
0x13: {  	s23 =	simm.s32 $0xC080;
	s24 =	simm.s32 $0xC880;
	s5 =	sadd.s32 $0x3600, s5  }
0x14: {  	v2 =	vlaneseq.u32;
	s25 =	simm.s32 $0xD080;
	s3 =	sadd.s32 $0x43E00, s3;
	[dreg:$0x2] =	wrdreg s5  }
0x15: {  	vm0 =	vmmov $0xffff;
	v1 =	vshrl.u32 v2, $0x3;
	s26 =	simm.s32 $0xD880;
	[dreg:$0x3] =	wrdreg s3;
	s3 =	sadd.s32 $0x3C00, s4  }
0x16: {  	v0 =	vand.u32 $0x7, v2;
	v2 =	vor.u32 $0x8, v2;
	v1 =	vmul.u32 $0x8, v1;
	s4 =	sadd.s32 $0x3D00, s4;
	s5 =	smax.u32 s1, $0x1;
	s1 =	simm.s32 $0x1  }
.LBB2_1:
0x17: {  	s0 =	rddreg [dreg:$0x2]  }
0x18: {  	[tilespmem:s2], [sflag:$0x2] =	stream.linear.gather [hbm4b:s0+s2], $0x80, $0x38;
	[tilespmem:$0x10080] =	vst v63  }
0x19: {  	_ =	swait.ge [sflag:s6], $0x80  }
0x1a: {  	[sflag:s6] =	ssyncset.done $0x0  }
0x1b: {  	[sflag:s6] =	ssyncadd.s32 $0xFFFFFF80  }
0x1c: {  	v3 =	vld [tilespmem:$0x0];
	_ =	sdelay $0x4  }
0x1d: {  	v4 =	vshll.u32 v3, $0x2  }
0x1e: {  	v3 =	vand.u32 $0x7, v3;
	v4 =	vand.u32 $0xFFFFFFE0, v4  }
0x1f: {  	v3 =	vor.u32 v3, v4  }
0x20: {  	v4 =	vperm.xlane v3, v0;
	_ =	sdelay $0x1  }
0x21: {  	v4 =	vadd.s32 v1, v4;
	_ =	sdelay $0x1  }
0x22: {  	v3 =	vperm.xlane v3, v2;
	_ =	sdelay $0x1  }
0x23: {  	v3 =	vadd.s32 v1, v3  }
0x24: {  	[tilespmem:s7], [sflag:$0x1] =	stream.indirect_vreg.gather [hbm4b:s3+s2], $0x80, v4, vm0, $0xb8;
	[tilespmem:$0x10080] =	vst v63  }
0x25: {  	s0 =	rddreg [dreg:$0x4]  }
0x26: {  	[tilespmem:s0], [sflag:$0x1] =	stream.indirect_vreg.gather [hbm4b:s4+s2], $0x80, v4, vm0, $0xb8;
	[tilespmem:$0x10080] =	vst v63  }
0x27: {  	s8 =	rddreg [dreg:$0x5]  }
0x28: {  	[tilespmem:s8], [sflag:$0x1] =	stream.indirect_vreg.gather [hbm4b:s3+s2], $0x80, v3, vm0, $0xb8;
	[tilespmem:$0x10080] =	vst v63  }
0x29: {  	s0 =	rddreg [dreg:$0x6]  }
0x2a: {  	[tilespmem:s0], [sflag:$0x1] =	stream.indirect_vreg.gather [hbm4b:s4+s2], $0x80, v3, vm0, $0xb8;
	[tilespmem:$0x10080] =	vst v63  }
0x2b: {  	v3 =	vld [tilespmem:$0x10];
	_ =	sdelay $0x4  }
0x2c: {  	v57 =	vshll.u32 v3, $0x2  }
0x2d: {  	v3 =	vand.u32 $0x7, v3;
	v4 =	vand.u32 $0xFFFFFFE0, v57  }
0x2e: {  	v3 =	vor.u32 v3, v4  }
0x2f: {  	v4 =	vperm.xlane v3, v0;
	_ =	sdelay $0x1  }
0x30: {  	v4 =	vadd.s32 v1, v4;
	_ =	sdelay $0x1  }
0x31: {  	v3 =	vperm.xlane v3, v2;
	_ =	sdelay $0x1  }
0x32: {  	s0 =	rddreg [dreg:$0x7];
	v3 =	vadd.s32 v1, v3  }
0x33: {  	[tilespmem:s0], [sflag:$0x1] =	stream.indirect_vreg.gather [hbm4b:s3+s2], $0x80, v4, vm0, $0xb8;
	[tilespmem:$0x10080] =	vst v63  }
0x34: {  	s8 =	rddreg [dreg:$0x8]  }
0x35: {  	[tilespmem:s8], [sflag:$0x1] =	stream.indirect_vreg.gather [hbm4b:s4+s2], $0x80, v4, vm0, $0xb8;
	[tilespmem:$0x10080] =	vst v63  }
0x36: {  	s0 =	rddreg [dreg:$0x9]  }
0x37: {  	[tilespmem:s0], [sflag:$0x1] =	stream.indirect_vreg.gather [hbm4b:s3+s2], $0x80, v3, vm0, $0xb8;
	[tilespmem:$0x10080] =	vst v63  }
0x38: {  	s8 =	rddreg [dreg:$0xa]  }
0x39: {  	[tilespmem:s8], [sflag:$0x1] =	stream.indirect_vreg.gather [hbm4b:s4+s2], $0x80, v3, vm0, $0xb8;
	[tilespmem:$0x10080] =	vst v63  }
0x3a: {  	v3 =	vld [tilespmem:$0x20];
	_ =	sdelay $0x4  }
0x3b: {  	v58 =	vshll.u32 v3, $0x2  }
0x3c: {  	v3 =	vand.u32 $0x7, v3;
	v4 =	vand.u32 $0xFFFFFFE0, v58  }
0x3d: {  	v3 =	vor.u32 v3, v4  }
0x3e: {  	v4 =	vperm.xlane v3, v0;
	_ =	sdelay $0x1  }
0x3f: {  	v4 =	vadd.s32 v1, v4;
	_ =	sdelay $0x1  }
0x40: {  	v3 =	vperm.xlane v3, v2;
	_ =	sdelay $0x1  }
0x41: {  	s8 =	rddreg [dreg:$0xb];
	v3 =	vadd.s32 v1, v3  }
0x42: {  	[tilespmem:s8], [sflag:$0x1] =	stream.indirect_vreg.gather [hbm4b:s3+s2], $0x80, v4, vm0, $0xb8;
	[tilespmem:$0x10080] =	vst v63  }
0x43: {  	s8 =	simm.s32 $0x4880  }
0x44: {  	[tilespmem:s8], [sflag:$0x1] =	stream.indirect_vreg.gather [hbm4b:s4+s2], $0x80, v4, vm0, $0xb8;
	[tilespmem:$0x10080] =	vst v63  }
0x45: {  	_ = 	snop  }
0x46: {  	[tilespmem:s9], [sflag:$0x1] =	stream.indirect_vreg.gather [hbm4b:s3+s2], $0x80, v3, vm0, $0xb8;
	[tilespmem:$0x10080] =	vst v63  }
0x47: {  	_ = 	snop  }
0x48: {  	[tilespmem:s10], [sflag:$0x1] =	stream.indirect_vreg.gather [hbm4b:s4+s2], $0x80, v3, vm0, $0xb8;
	[tilespmem:$0x10080] =	vst v63  }
0x49: {  	v3 =	vld [tilespmem:$0x30];
	_ =	sdelay $0x4  }
0x4a: {  	v59 =	vshll.u32 v3, $0x2  }
0x4b: {  	v3 =	vand.u32 $0x7, v3;
	v4 =	vand.u32 $0xFFFFFFE0, v59  }
0x4c: {  	v3 =	vor.u32 v3, v4  }
0x4d: {  	v4 =	vperm.xlane v3, v0;
	_ =	sdelay $0x1  }
0x4e: {  	v4 =	vadd.s32 v1, v4;
	_ =	sdelay $0x1  }
0x4f: {  	v3 =	vperm.xlane v3, v2;
	_ =	sdelay $0x1  }
0x50: {  	v3 =	vadd.s32 v1, v3  }
0x51: {  	[tilespmem:s11], [sflag:$0x1] =	stream.indirect_vreg.gather [hbm4b:s3+s2], $0x80, v4, vm0, $0xb8;
	[tilespmem:$0x10080] =	vst v63  }
0x52: {  	_ = 	snop  }
0x53: {  	[tilespmem:s12], [sflag:$0x1] =	stream.indirect_vreg.gather [hbm4b:s4+s2], $0x80, v4, vm0, $0xb8;
	[tilespmem:$0x10080] =	vst v63  }
0x54: {  	_ = 	snop  }
0x55: {  	[tilespmem:s13], [sflag:$0x1] =	stream.indirect_vreg.gather [hbm4b:s3+s2], $0x80, v3, vm0, $0xb8;
	[tilespmem:$0x10080] =	vst v63  }
0x56: {  	_ = 	snop  }
0x57: {  	[tilespmem:s14], [sflag:$0x1] =	stream.indirect_vreg.gather [hbm4b:s4+s2], $0x80, v3, vm0, $0xb8;
	[tilespmem:$0x10080] =	vst v63  }
0x58: {  	v3 =	vld [tilespmem:$0x40];
	_ =	sdelay $0x4  }
0x59: {  	v60 =	vshll.u32 v3, $0x2  }
0x5a: {  	v3 =	vand.u32 $0x7, v3;
	v4 =	vand.u32 $0xFFFFFFE0, v60  }
0x5b: {  	v3 =	vor.u32 v3, v4  }
0x5c: {  	v4 =	vperm.xlane v3, v0;
	_ =	sdelay $0x1  }
0x5d: {  	v4 =	vadd.s32 v1, v4;
	_ =	sdelay $0x1  }
0x5e: {  	v3 =	vperm.xlane v3, v2;
	_ =	sdelay $0x1  }
0x5f: {  	v3 =	vadd.s32 v1, v3  }
0x60: {  	[tilespmem:s15], [sflag:$0x1] =	stream.indirect_vreg.gather [hbm4b:s3+s2], $0x80, v4, vm0, $0xb8;
	[tilespmem:$0x10080] =	vst v63  }
0x61: {  	_ = 	snop  }
0x62: {  	[tilespmem:s16], [sflag:$0x1] =	stream.indirect_vreg.gather [hbm4b:s4+s2], $0x80, v4, vm0, $0xb8;
	[tilespmem:$0x10080] =	vst v63  }
0x63: {  	_ = 	snop  }
0x64: {  	[tilespmem:s17], [sflag:$0x1] =	stream.indirect_vreg.gather [hbm4b:s3+s2], $0x80, v3, vm0, $0xb8;
	[tilespmem:$0x10080] =	vst v63  }
0x65: {  	_ = 	snop  }
0x66: {  	[tilespmem:s18], [sflag:$0x1] =	stream.indirect_vreg.gather [hbm4b:s4+s2], $0x80, v3, vm0, $0xb8;
	[tilespmem:$0x10080] =	vst v63  }
0x67: {  	v3 =	vld [tilespmem:$0x50];
	_ =	sdelay $0x4  }
0x68: {  	v61 =	vshll.u32 v3, $0x2  }
0x69: {  	v3 =	vand.u32 $0x7, v3;
	v4 =	vand.u32 $0xFFFFFFE0, v61  }
0x6a: {  	v3 =	vor.u32 v3, v4  }
0x6b: {  	v4 =	vperm.xlane v3, v0;
	_ =	sdelay $0x1  }
0x6c: {  	v4 =	vadd.s32 v1, v4;
	_ =	sdelay $0x1  }
0x6d: {  	v3 =	vperm.xlane v3, v2;
	_ =	sdelay $0x1  }
0x6e: {  	v3 =	vadd.s32 v1, v3  }
0x6f: {  	[tilespmem:s19], [sflag:$0x1] =	stream.indirect_vreg.gather [hbm4b:s3+s2], $0x80, v4, vm0, $0xb8;
	[tilespmem:$0x10080] =	vst v63  }
0x70: {  	_ = 	snop  }
0x71: {  	[tilespmem:s20], [sflag:$0x1] =	stream.indirect_vreg.gather [hbm4b:s4+s2], $0x80, v4, vm0, $0xb8;
	[tilespmem:$0x10080] =	vst v63  }
0x72: {  	_ = 	snop  }
0x73: {  	[tilespmem:s21], [sflag:$0x1] =	stream.indirect_vreg.gather [hbm4b:s3+s2], $0x80, v3, vm0, $0xb8;
	[tilespmem:$0x10080] =	vst v63  }
0x74: {  	_ = 	snop  }
0x75: {  	[tilespmem:s22], [sflag:$0x1] =	stream.indirect_vreg.gather [hbm4b:s4+s2], $0x80, v3, vm0, $0xb8;
	[tilespmem:$0x10080] =	vst v63  }
0x76: {  	v3 =	vld [tilespmem:$0x60];
	_ =	sdelay $0x4  }
0x77: {  	v62 =	vshll.u32 v3, $0x2  }
0x78: {  	v3 =	vand.u32 $0x7, v3;
	v4 =	vand.u32 $0xFFFFFFE0, v62  }
0x79: {  	v3 =	vor.u32 v3, v4  }
0x7a: {  	v4 =	vperm.xlane v3, v0;
	_ =	sdelay $0x1  }
0x7b: {  	v4 =	vadd.s32 v1, v4;
	_ =	sdelay $0x1  }
0x7c: {  	v3 =	vperm.xlane v3, v2;
	_ =	sdelay $0x1  }
0x7d: {  	v3 =	vadd.s32 v1, v3  }
0x7e: {  	[tilespmem:s23], [sflag:$0x1] =	stream.indirect_vreg.gather [hbm4b:s3+s2], $0x80, v4, vm0, $0xb8;
	[tilespmem:$0x10080] =	vst v63  }
0x7f: {  	_ = 	snop  }
0x80: {  	[tilespmem:s24], [sflag:$0x1] =	stream.indirect_vreg.gather [hbm4b:s4+s2], $0x80, v4, vm0, $0xb8;
	[tilespmem:$0x10080] =	vst v63  }
0x81: {  	_ = 	snop  }
0x82: {  	[tilespmem:s25], [sflag:$0x1] =	stream.indirect_vreg.gather [hbm4b:s3+s2], $0x80, v3, vm0, $0xb8;
	[tilespmem:$0x10080] =	vst v63  }
0x83: {  	_ = 	snop  }
0x84: {  	[tilespmem:s26], [sflag:$0x1] =	stream.indirect_vreg.gather [hbm4b:s4+s2], $0x80, v3, vm0, $0xb8;
	[tilespmem:$0x10080] =	vst v63  }
0x85: {  	v3 =	vld [tilespmem:$0x70];
	_ =	sdelay $0x4  }
0x86: {  	v63 =	vshll.u32 v3, $0x2  }
0x87: {  	v3 =	vand.u32 $0x7, v3;
	v4 =	vand.u32 $0xFFFFFFE0, v63  }
0x88: {  	v3 =	vor.u32 v3, v4  }
0x89: {  	v4 =	vperm.xlane v3, v0;
	_ =	sdelay $0x1  }
0x8a: {  	v4 =	vadd.s32 v1, v4;
	_ =	sdelay $0x1  }
0x8b: {  	v3 =	vperm.xlane v3, v2;
	_ =	sdelay $0x1  }
0x8c: {  	v3 =	vadd.s32 v1, v3  }
0x8d: {  	[tilespmem:s28], [sflag:$0x1] =	stream.indirect_vreg.gather [hbm4b:s3+s2], $0x80, v4, vm0, $0xb8;
	[tilespmem:$0x10080] =	vst v63  }
0x8e: {  	_ = 	snop  }
0x8f: {  	[tilespmem:s29], [sflag:$0x1] =	stream.indirect_vreg.gather [hbm4b:s4+s2], $0x80, v4, vm0, $0xb8;
	[tilespmem:$0x10080] =	vst v63  }
0x90: {  	_ = 	snop  }
0x91: {  	[tilespmem:s30], [sflag:$0x1] =	stream.indirect_vreg.gather [hbm4b:s3+s2], $0x80, v3, vm0, $0xb8;
	[tilespmem:$0x10080] =	vst v63  }
0x92: {  	_ = 	snop  }
0x93: {  	[tilespmem:s31], [sflag:$0x1] =	stream.indirect_vreg.gather [hbm4b:s4+s2], $0x80, v3, vm0, $0xb8;
	[tilespmem:$0x10080] =	vst v63  }
0x94: {  	_ =	swait.ge [sflag:s1], $0x10000  }
0x95: {  	p0 =	sne.s32 s5, $0x1;
	[sflag:s1] =	ssyncset.done $0x0  }
.Ltmp0:
0x96: {  	s8 =	rddreg [dreg:$0x3];
	[sflag:s1] =	ssyncadd.s32 $0xFFFF0000;
	(pc) =	sbr.rel @p0 .LBB2_1-.Ltmp0, $4  }
0x97: {  	[hbm4b:s8+s2] =	stream.linear.scatter [tilespmem:s7], [sflag:$0x2], $0x10000, $0x38;
	[tilespmem:$0x10080] =	vst v63  }
0x98: {  	_ =	swait.ge [sflag:s6], $0x10000  }
0x99: {  	[sflag:s6] =	ssyncset.done $0x0  }
0x9a: {  	s5 =	sadd.s32 $0xFFFFFFFF, s5;
	[sflag:s6] =	ssyncadd.s32 $0xFFFF0000  }
0x9b: {  	_ =	sfence.sel $0x180000  }
0x9c: {  	[bflag:$0x0] =	sbarrier.arrive $0xFFFF  }
0x9d: {  	_ =	strace $0x9000004A  }
0x9e: {  	s0 =	stileid.u32;
	[bflag:$0x2] =	sbarrier.arrive $0xFFFF  }
0x9f: {  	p0 =	sne.s32 s0, $0x0;
	s0 =	rddreg [dreg:$0x1]  }
0xa0: {  	s0 =	sadd.s32 @!p0 $0x100000, s0  }
0xa1: {  	[sflag:s0] =	ssyncadd.tile.s32 @!p0 $0x1;
	_ =	shalt  }
.Lfunc_end2:
_tile_overlayer_lowered:
.L_overlay_start_2:
0xa2: {  	(tag) =	ssettag $0x2  }
0xa3: {  	s0 =	rddreg [dreg:$0x0];
	s2 =	stileid.u32  }
0xa4: {  	s1 =	rddreg [dreg:$0x1];
	p0 =	sne.s32 s2, $0x0  }
0xa5: {  	s3 =	rddreg [dreg:$0x2];
	[bflag:$0x3] =	sbarrier.arrive $0xFFFF;
	s2 =	simm.s32 @!p0 $0x1C02  }
0xa6: {  	[timem:s3], [sflag:s2] =	dma.local @!p0 [hbm:s0], s1  }
0xa7: {  	s0 =	simm.s32 @!p0 $0x2  }
0xa8: {  	_ =	swait.ge @!p0 [sflag:s0], s1  }
0xa9: {  	s1 =	ssub.s32 @!p0 $0x0, s1;
	[sflag:s0] =	ssyncset.done @!p0 $0x0  }
0xaa: {  	[sflag:s0] =	ssyncadd.s32 @!p0 s1  }
0xab: {  	[bflag:$0x3] =	sbarrier.arrive $0xFFFF  }
0xac: {  	_ =	shalt  }

</sc_bundles>
